<compile_context>
chip_gen: v7x
topology: tpu7x:2x2x1
jax: 0.10.2.dev20260603
libtpu: 0.0.44.dev20260713+nightly
codegen_flags: <defaults>
</compile_context>

<pallas_src>
import jax
import jax.numpy as jnp
from jax import lax
from jax.experimental import pallas as pl
from jax.experimental.pallas import tpu as pltpu
from jax.experimental.pallas import tpu_sc as plsc

N = 65536
NNZ = 4194304
NC = 2
NS = 16
NW = NC * NS
W = NNZ // NW
CH = 2048
NCHUNK = W // CH
NBUF = 4
SEG = N // NS


def _spmv_sc(x_hbm, vals_hbm, rows_hbm, cols_hbm, part_hbm,
             x_v, vals_v, cols_v, rows_v, prod_t, rows_t, x_sh, y_sh,
             sem_i, sem_s):
    c = lax.axis_index("c")
    s = lax.axis_index("s")
    wid = c * NS + s
    j0 = wid * W

    def issue_in(chunk, b):
        off = j0 + chunk * CH
        pltpu.async_copy(vals_hbm.at[pl.ds(off, CH)], vals_v[b], sem_i[b])
        pltpu.async_copy(cols_hbm.at[pl.ds(off, CH)], cols_v[b], sem_i[b])
        pltpu.async_copy(rows_hbm.at[pl.ds(off, CH)], rows_v[b], sem_i[b])

    def wait_in(b):
        pltpu.make_async_copy(vals_hbm.at[pl.ds(0, CH)], vals_v[b], sem_i[b]).wait()
        pltpu.make_async_copy(cols_hbm.at[pl.ds(0, CH)], cols_v[b], sem_i[b]).wait()
        pltpu.make_async_copy(rows_hbm.at[pl.ds(0, CH)], rows_v[b], sem_i[b]).wait()

    def wait_scat(b):
        pltpu.make_async_copy(prod_t[b], y_sh.at[rows_t[b]], sem_s[b]).wait()

    issue_in(0, 0)
    issue_in(1, 1)
    pltpu.sync_copy(x_hbm.at[pl.ds(s * SEG, SEG)],
                    x_sh.at[pl.ds(s * SEG, SEG)])

    @plsc.parallel_loop(0, CH, step=16, unroll=8)
    def _z(i):
        prod_t[0][pl.ds(i, 16)] = jnp.zeros((16,), jnp.float32)

    pltpu.sync_copy(prod_t[0], y_sh.at[pl.ds(s * SEG, CH)])
    pltpu.sync_copy(prod_t[0], y_sh.at[pl.ds(s * SEG + CH, CH)])
    plsc.subcore_barrier()

    pltpu.sync_copy(x_sh, x_v)
    t16 = lax.iota(jnp.int32, 16) * 17

    def _quad(t, _):
        for b in range(NBUF):
            ch = t * NBUF + b
            wait_in(b)

            @plsc.parallel_loop(0, CH, step=16, unroll=8)
            def _grp(i):
                sl = pl.ds(i, 16)
                cols16 = cols_v[b][sl]
                xg = plsc.load_gather(x_v, [cols16])
                tidx = (t16 + ((17 * i) & (CH - 1))) & (CH - 1)
                plsc.store_scatter(prod_t[b], [tidx], vals_v[b][sl] * xg)
                plsc.store_scatter(rows_t[b], [tidx], rows_v[b][sl])

            pltpu.async_copy(prod_t[b], y_sh.at[rows_t[b]], sem_s[b], add=True)

            b2 = (b + 2) % NBUF

            @pl.when(ch >= 2)
            def _():
                wait_scat(b2)

            @pl.when(ch <= NCHUNK - 3)
            def _():
                issue_in(ch + 2, b2)
        return 0
    lax.fori_loop(0, NCHUNK // NBUF, _quad, 0)

    wait_scat((NCHUNK - 2) % NBUF)
    wait_scat((NCHUNK - 1) % NBUF)
    plsc.subcore_barrier()
    pltpu.sync_copy(y_sh.at[pl.ds(s * SEG, SEG)],
                    part_hbm.at[c, pl.ds(s * SEG, SEG)])


def _combine(p_ref, o_ref):
    o_ref[...] = p_ref[0] + p_ref[1]


@jax.jit
def kernel(x, values, row_indices, col_indices):
    spmv = pl.kernel(
        _spmv_sc,
        out_type=jax.ShapeDtypeStruct((NC, N), jnp.float32),
        mesh=plsc.VectorSubcoreMesh(core_axis_name="c", subcore_axis_name="s",
                                    num_cores=NC, num_subcores=NS),
        compiler_params=pltpu.CompilerParams(needs_layout_passes=False),
        scratch_types=[
            pltpu.VMEM((N,), jnp.float32),
            [pltpu.VMEM((CH,), jnp.float32)] * NBUF,
            [pltpu.VMEM((CH,), jnp.int32)] * NBUF,
            [pltpu.VMEM((CH,), jnp.int32)] * NBUF,
            [pltpu.VMEM((CH,), jnp.float32)] * NBUF,
            [pltpu.VMEM((CH,), jnp.int32)] * NBUF,
            pltpu.VMEM_SHARED((N,), jnp.float32),
            pltpu.VMEM_SHARED((N,), jnp.float32),
            [pltpu.SemaphoreType.DMA] * NBUF,
            [pltpu.SemaphoreType.DMA] * NBUF,
        ],
    )
    parts = spmv(x, values, row_indices, col_indices)
    y = pl.pallas_call(
        _combine,
        out_shape=jax.ShapeDtypeStruct((N // 128, 128), jnp.float32),
    )(parts.reshape(NC, N // 128, 128))
    return y.reshape(N)

# --- scband reference (transcript-rebuilt; emitter-appended) ---
"""Pipeline reference for scband-sparse-matrix-module-34222299415218 (READ-ONLY COPY).

The authoritative reference and input builder live on the scoring server;
editing this copy changes nothing except your own understanding.
"""

import jax, jax.numpy as jnp
import numpy as np

N = 65536
NNZ = 4194304

def setup_inputs(seed: int = 0) -> dict:
    key = jax.random.key(seed)
    k1, k2, k3, k4 = jax.random.split(key, 4)
    x = jax.random.normal(k1, (N,), dtype=jnp.float32)
    # Sparse matrix in COO layout (the module's CSR path is equivalent SpMV math):
    # row indices sorted (CSR ordering), columns uniform random, random float values.
    values = jax.random.normal(k2, (NNZ,), dtype=jnp.float32)
    row_indices = jnp.sort(jax.random.randint(k3, (NNZ,), 0, N, dtype=jnp.int32))
    col_indices = jax.random.randint(k4, (NNZ,), 0, N, dtype=jnp.int32)
    return {"x": x, "values": values, "row_indices": row_indices, "col_indices": col_indices}

def reference(x, values, row_indices, col_indices):
    # y[i] = sum_j values[j] * x[col_indices[j]] for j with row_indices[j] == i
    # gather from x, elementwise multiply, segment-reduce over rows.
    gathered = values * jnp.take(x, col_indices, axis=0)
    y = jax.ops.segment_sum(gathered, row_indices, num_segments=N)
    return y

if __name__ == "__main__":
    import jax
    _d = setup_inputs()
    print(jax.jit(kernel)(*tuple(_d.values())))

</pallas_src>

<mosaic_0001>
#map = affine_map<(d0, d1) -> (0)>
#map1 = affine_map<(d0, d1) -> (0, 0)>
module attributes {stable_mosaic.version = 14 : i64} {
  func.func @_spmv_sc(%arg0: i32, %arg1: i32, %arg2: memref<65536xf32, #tpu.memory_space<hbm>>, %arg3: memref<4194304xf32, #tpu.memory_space<hbm>>, %arg4: memref<4194304xi32, #tpu.memory_space<hbm>>, %arg5: memref<4194304xi32, #tpu.memory_space<hbm>>, %arg6: memref<2x65536xf32, #tpu.memory_space<hbm>>, %arg7: memref<65536xf32, #tpu.memory_space<vmem>>, %arg8: memref<2048xf32, #tpu.memory_space<vmem>>, %arg9: memref<2048xf32, #tpu.memory_space<vmem>>, %arg10: memref<2048xf32, #tpu.memory_space<vmem>>, %arg11: memref<2048xf32, #tpu.memory_space<vmem>>, %arg12: memref<2048xi32, #tpu.memory_space<vmem>>, %arg13: memref<2048xi32, #tpu.memory_space<vmem>>, %arg14: memref<2048xi32, #tpu.memory_space<vmem>>, %arg15: memref<2048xi32, #tpu.memory_space<vmem>>, %arg16: memref<2048xi32, #tpu.memory_space<vmem>>, %arg17: memref<2048xi32, #tpu.memory_space<vmem>>, %arg18: memref<2048xi32, #tpu.memory_space<vmem>>, %arg19: memref<2048xi32, #tpu.memory_space<vmem>>, %arg20: memref<2048xf32, #tpu.memory_space<vmem>>, %arg21: memref<2048xf32, #tpu.memory_space<vmem>>, %arg22: memref<2048xf32, #tpu.memory_space<vmem>>, %arg23: memref<2048xf32, #tpu.memory_space<vmem>>, %arg24: memref<2048xi32, #tpu.memory_space<vmem>>, %arg25: memref<2048xi32, #tpu.memory_space<vmem>>, %arg26: memref<2048xi32, #tpu.memory_space<vmem>>, %arg27: memref<2048xi32, #tpu.memory_space<vmem>>, %arg28: memref<65536xf32, #tpu.memory_space<vmem_shared>>, %arg29: memref<65536xf32, #tpu.memory_space<vmem_shared>>, %arg30: memref<!tpu.dma_semaphore, #tpu.memory_space<semaphore_mem>>, %arg31: memref<!tpu.dma_semaphore, #tpu.memory_space<semaphore_mem>>, %arg32: memref<!tpu.dma_semaphore, #tpu.memory_space<semaphore_mem>>, %arg33: memref<!tpu.dma_semaphore, #tpu.memory_space<semaphore_mem>>, %arg34: memref<!tpu.dma_semaphore, #tpu.memory_space<semaphore_mem>>, %arg35: memref<!tpu.dma_semaphore, #tpu.memory_space<semaphore_mem>>, %arg36: memref<!tpu.dma_semaphore, #tpu.memory_space<semaphore_mem>>, %arg37: memref<!tpu.dma_semaphore, #tpu.memory_space<semaphore_mem>>) attributes {dimension_semantics = [#tpu.dimension_semantics<core_parallel>, #tpu.dimension_semantics<subcore_parallel>], iteration_bounds = array<i64: 2, 16>, scalar_prefetch = 0 : i64, scratch_operands = 31 : i64, tpu.core_type = #tpu.core_type<sc_vector_subcore>, window_params = [{transform_indices = #map}, {transform_indices = #map}, {transform_indices = #map}, {transform_indices = #map}, {transform_indices = #map1}]} {
    %mul3A = arith.constant 16 : i32
    %mul3A_0 = arith.muli %arg0, %mul3A : i32
    %add3A = arith.addi %mul3A_0, %arg1 : i32
    %mul3A_1 = arith.constant 131072 : i32
    %mul3A_2 = arith.muli %add3A, %mul3A_1 : i32
    %add3A_3 = arith.constant 0 : i32
    %add3A_4 = arith.addi %mul3A_2, %add3A_3 : i32
    %dma_start3A = tpu.memref_slice %arg3[%add3A_4] : memref<4194304xf32, #tpu.memory_space<hbm>> -> memref<2048xf32, #tpu.memory_space<hbm>>
    %dma_start3A_5 = tpu.memref_slice %arg3[%add3A_4] : memref<4194304xf32, #tpu.memory_space<hbm>> -> memref<2048xf32, #tpu.memory_space<hbm>>
    tpu.enqueue_dma source(%dma_start3A_5 : memref<2048xf32, #tpu.memory_space<hbm>>) target(%arg8 : memref<2048xf32, #tpu.memory_space<vmem>>) target_semaphore(%arg30 : memref<!tpu.dma_semaphore, #tpu.memory_space<semaphore_mem>>)
    %dma_start3A_6 = tpu.memref_slice %arg5[%add3A_4] : memref<4194304xi32, #tpu.memory_space<hbm>> -> memref<2048xi32, #tpu.memory_space<hbm>>
    %dma_start3A_7 = tpu.memref_slice %arg5[%add3A_4] : memref<4194304xi32, #tpu.memory_space<hbm>> -> memref<2048xi32, #tpu.memory_space<hbm>>
    tpu.enqueue_dma source(%dma_start3A_7 : memref<2048xi32, #tpu.memory_space<hbm>>) target(%arg12 : memref<2048xi32, #tpu.memory_space<vmem>>) target_semaphore(%arg30 : memref<!tpu.dma_semaphore, #tpu.memory_space<semaphore_mem>>)
    %dma_start3A_8 = tpu.memref_slice %arg4[%add3A_4] : memref<4194304xi32, #tpu.memory_space<hbm>> -> memref<2048xi32, #tpu.memory_space<hbm>>
    %dma_start3A_9 = tpu.memref_slice %arg4[%add3A_4] : memref<4194304xi32, #tpu.memory_space<hbm>> -> memref<2048xi32, #tpu.memory_space<hbm>>
    tpu.enqueue_dma source(%dma_start3A_9 : memref<2048xi32, #tpu.memory_space<hbm>>) target(%arg16 : memref<2048xi32, #tpu.memory_space<vmem>>) target_semaphore(%arg30 : memref<!tpu.dma_semaphore, #tpu.memory_space<semaphore_mem>>)
    %add3A_10 = arith.constant 2048 : i32
    %add3A_11 = arith.addi %mul3A_2, %add3A_10 : i32
    %dma_start3A_12 = tpu.memref_slice %arg3[%add3A_11] : memref<4194304xf32, #tpu.memory_space<hbm>> -> memref<2048xf32, #tpu.memory_space<hbm>>
    %dma_start3A_13 = tpu.memref_slice %arg3[%add3A_11] : memref<4194304xf32, #tpu.memory_space<hbm>> -> memref<2048xf32, #tpu.memory_space<hbm>>
    tpu.enqueue_dma source(%dma_start3A_13 : memref<2048xf32, #tpu.memory_space<hbm>>) target(%arg9 : memref<2048xf32, #tpu.memory_space<vmem>>) target_semaphore(%arg31 : memref<!tpu.dma_semaphore, #tpu.memory_space<semaphore_mem>>)
    %dma_start3A_14 = tpu.memref_slice %arg5[%add3A_11] : memref<4194304xi32, #tpu.memory_space<hbm>> -> memref<2048xi32, #tpu.memory_space<hbm>>
    %dma_start3A_15 = tpu.memref_slice %arg5[%add3A_11] : memref<4194304xi32, #tpu.memory_space<hbm>> -> memref<2048xi32, #tpu.memory_space<hbm>>
    tpu.enqueue_dma source(%dma_start3A_15 : memref<2048xi32, #tpu.memory_space<hbm>>) target(%arg13 : memref<2048xi32, #tpu.memory_space<vmem>>) target_semaphore(%arg31 : memref<!tpu.dma_semaphore, #tpu.memory_space<semaphore_mem>>)
    %dma_start3A_16 = tpu.memref_slice %arg4[%add3A_11] : memref<4194304xi32, #tpu.memory_space<hbm>> -> memref<2048xi32, #tpu.memory_space<hbm>>
    %dma_start3A_17 = tpu.memref_slice %arg4[%add3A_11] : memref<4194304xi32, #tpu.memory_space<hbm>> -> memref<2048xi32, #tpu.memory_space<hbm>>
    tpu.enqueue_dma source(%dma_start3A_17 : memref<2048xi32, #tpu.memory_space<hbm>>) target(%arg17 : memref<2048xi32, #tpu.memory_space<vmem>>) target_semaphore(%arg31 : memref<!tpu.dma_semaphore, #tpu.memory_space<semaphore_mem>>)
    %mul3A_18 = arith.constant 4096 : i32
    %mul3A_19 = arith.muli %arg1, %mul3A_18 : i32
    %mul3A_20 = arith.constant 4096 : i32
    %mul3A_21 = arith.muli %arg1, %mul3A_20 : i32
    "tpu.region"() ({
      %run_scoped3A = tpu.sem_alloc : memref<!tpu.dma_semaphore, #tpu.memory_space<semaphore_mem>>
      %dma_start3A_47 = tpu.memref_slice %arg28[%mul3A_21] : memref<65536xf32, #tpu.memory_space<vmem_shared>> -> memref<4096xf32, #tpu.memory_space<vmem_shared>>
      %dma_start3A_48 = tpu.memref_slice %arg2[%mul3A_19] : memref<65536xf32, #tpu.memory_space<hbm>> -> memref<4096xf32, #tpu.memory_space<hbm>>
      tpu.enqueue_dma source(%dma_start3A_48 : memref<4096xf32, #tpu.memory_space<hbm>>) target(%dma_start3A_47 : memref<4096xf32, #tpu.memory_space<vmem_shared>>) target_semaphore(%run_scoped3A : memref<!tpu.dma_semaphore, #tpu.memory_space<semaphore_mem>>)
      %dma_wait3A_49 = tpu.memref_slice %arg28[%mul3A_21] : memref<65536xf32, #tpu.memory_space<vmem_shared>> -> memref<4096xf32, #tpu.memory_space<vmem_shared>>
      %dma_wait3A_50 = tpu.memref_slice %arg2[%mul3A_19] : memref<65536xf32, #tpu.memory_space<hbm>> -> memref<4096xf32, #tpu.memory_space<hbm>>
      tpu.wait_dma2 semaphore(%run_scoped3A : memref<!tpu.dma_semaphore, #tpu.memory_space<semaphore_mem>>) src(%dma_wait3A_50 : memref<4096xf32, #tpu.memory_space<hbm>>) dst(%dma_wait3A_49 : memref<4096xf32, #tpu.memory_space<vmem_shared>>)
      tpu.yield
    }) : () -> ()
    %parallel_loop3A = arith.constant 0 : i32
    %parallel_loop3A_22 = arith.constant 2048 : i32
    %parallel_loop3A_23 = arith.constant 16 : i32
    scf.for %parallel_loop3A_47 = %parallel_loop3A to %parallel_loop3A_22 step %parallel_loop3A_23  : i32 {
      %parallel_loop3A_48 = arith.constant 0.000000e+00 : f32
      %parallel_loop3A_49 = vector.broadcast %parallel_loop3A_48 : f32 to vector<16xf32>
      %parallel_loop3A_50 = arith.index_cast %parallel_loop3A_47 : i32 to index
      %parallel_loop3A_51 = tpu.vector_load %arg20[%parallel_loop3A_50] {strides = array<i32>} : memref<2048xf32, #tpu.memory_space<vmem>>, vector<16xf32>,
      tpu.vector_store %arg20[%parallel_loop3A_50], %parallel_loop3A_49 {strides = array<i32>} : memref<2048xf32, #tpu.memory_space<vmem>>, vector<16xf32>,
    } {sc.loop_unroll_factor = 8 : i64, sc.parallel_access}
    %mul3A_24 = arith.constant 4096 : i32
    %mul3A_25 = arith.muli %arg1, %mul3A_24 : i32
    "tpu.region"() ({
      %run_scoped3A = tpu.sem_alloc : memref<!tpu.dma_semaphore, #tpu.memory_space<semaphore_mem>>
      %dma_start3A_47 = tpu.memref_slice %arg29[%mul3A_25] : memref<65536xf32, #tpu.memory_space<vmem_shared>> -> memref<2048xf32, #tpu.memory_space<vmem_shared>>
      %dma_start3A_48 = tpu.memref_slice %arg29[%mul3A_25] : memref<65536xf32, #tpu.memory_space<vmem_shared>> -> memref<2048xf32, #tpu.memory_space<vmem_shared>>
      tpu.enqueue_dma source(%arg20 : memref<2048xf32, #tpu.memory_space<vmem>>) target(%dma_start3A_48 : memref<2048xf32, #tpu.memory_space<vmem_shared>>) target_semaphore(%run_scoped3A : memref<!tpu.dma_semaphore, #tpu.memory_space<semaphore_mem>>)
      %dma_wait3A_49 = tpu.memref_slice %arg29[%mul3A_25] : memref<65536xf32, #tpu.memory_space<vmem_shared>> -> memref<2048xf32, #tpu.memory_space<vmem_shared>>
      %dma_wait3A_50 = tpu.memref_slice %arg29[%mul3A_25] : memref<65536xf32, #tpu.memory_space<vmem_shared>> -> memref<2048xf32, #tpu.memory_space<vmem_shared>>
      tpu.wait_dma2 semaphore(%run_scoped3A : memref<!tpu.dma_semaphore, #tpu.memory_space<semaphore_mem>>) src(%arg20 : memref<2048xf32, #tpu.memory_space<vmem>>) dst(%dma_wait3A_50 : memref<2048xf32, #tpu.memory_space<vmem_shared>>)
      tpu.yield
    }) : () -> ()
    %mul3A_26 = arith.constant 4096 : i32
    %mul3A_27 = arith.muli %arg1, %mul3A_26 : i32
    %add3A_28 = arith.constant 2048 : i32
    %add3A_29 = arith.addi %mul3A_27, %add3A_28 : i32
    "tpu.region"() ({
      %run_scoped3A = tpu.sem_alloc : memref<!tpu.dma_semaphore, #tpu.memory_space<semaphore_mem>>
      %dma_start3A_47 = tpu.memref_slice %arg29[%add3A_29] : memref<65536xf32, #tpu.memory_space<vmem_shared>> -> memref<2048xf32, #tpu.memory_space<vmem_shared>>
      %dma_start3A_48 = tpu.memref_slice %arg29[%add3A_29] : memref<65536xf32, #tpu.memory_space<vmem_shared>> -> memref<2048xf32, #tpu.memory_space<vmem_shared>>
      tpu.enqueue_dma source(%arg20 : memref<2048xf32, #tpu.memory_space<vmem>>) target(%dma_start3A_48 : memref<2048xf32, #tpu.memory_space<vmem_shared>>) target_semaphore(%run_scoped3A : memref<!tpu.dma_semaphore, #tpu.memory_space<semaphore_mem>>)
      %dma_wait3A_49 = tpu.memref_slice %arg29[%add3A_29] : memref<65536xf32, #tpu.memory_space<vmem_shared>> -> memref<2048xf32, #tpu.memory_space<vmem_shared>>
      %dma_wait3A_50 = tpu.memref_slice %arg29[%add3A_29] : memref<65536xf32, #tpu.memory_space<vmem_shared>> -> memref<2048xf32, #tpu.memory_space<vmem_shared>>
      tpu.wait_dma2 semaphore(%run_scoped3A : memref<!tpu.dma_semaphore, #tpu.memory_space<semaphore_mem>>) src(%arg20 : memref<2048xf32, #tpu.memory_space<vmem>>) dst(%dma_wait3A_50 : memref<2048xf32, #tpu.memory_space<vmem_shared>>)
      tpu.yield
    }) : () -> ()
    %barrier3A = arith.constant 0 : index
    tpu.barrier barrier_id(%barrier3A)
    "tpu.region"() ({
      %run_scoped3A = tpu.sem_alloc : memref<!tpu.dma_semaphore, #tpu.memory_space<semaphore_mem>>
      tpu.enqueue_dma source(%arg28 : memref<65536xf32, #tpu.memory_space<vmem_shared>>) target(%arg7 : memref<65536xf32, #tpu.memory_space<vmem>>) target_semaphore(%run_scoped3A : memref<!tpu.dma_semaphore, #tpu.memory_space<semaphore_mem>>)
      tpu.wait_dma2 semaphore(%run_scoped3A : memref<!tpu.dma_semaphore, #tpu.memory_space<semaphore_mem>>) src(%arg28 : memref<65536xf32, #tpu.memory_space<vmem_shared>>) dst(%arg7 : memref<65536xf32, #tpu.memory_space<vmem>>)
      tpu.yield
    }) : () -> ()
    %iota3A = tpu.iota {dimensions = array<i32: 0>} : vector<16xi32>
    %mul3A_30 = arith.constant 17 : i32
    %mul3A_31 = vector.broadcast %mul3A_30 : i32 to vector<16xi32>
    %mul3A_32 = arith.muli %iota3A, %mul3A_31 : vector<16xi32>
    %scan3A = arith.constant 0 : i32
    %scan3A_33 = arith.constant 0 : i32
    %scan3A_34 = arith.constant 16 : i32
    %scan3A_35 = arith.addi %scan3A_33, %scan3A_34 : i32
    %scan3A_36 = arith.constant 1 : i32
    %scan3A_37 = scf.for %scan3A_47 = %scan3A_33 to %scan3A_35 step %scan3A_36 iter_args(%scan3A_48 = %scan3A) -> (i32)  : i32 {
      %mul3A_49 = arith.constant 4 : i32
      %mul3A_50 = arith.muli %scan3A_47, %mul3A_49 : i32
      %add3A_51 = arith.constant 0 : i32
      %add3A_52 = arith.addi %mul3A_50, %add3A_51 : i32
      %dma_wait3A_53 = arith.constant 0 : i32
      %dma_wait3A_54 = tpu.memref_slice %arg3[%dma_wait3A_53] : memref<4194304xf32, #tpu.memory_space<hbm>> -> memref<2048xf32, #tpu.memory_space<hbm>>
      %dma_wait3A_55 = arith.constant 0 : i32
      %dma_wait3A_56 = tpu.memref_slice %arg3[%dma_wait3A_55] : memref<4194304xf32, #tpu.memory_space<hbm>> -> memref<2048xf32, #tpu.memory_space<hbm>>
      tpu.wait_dma2 semaphore(%arg30 : memref<!tpu.dma_semaphore, #tpu.memory_space<semaphore_mem>>) src(%dma_wait3A_56 : memref<2048xf32, #tpu.memory_space<hbm>>) dst(%arg8 : memref<2048xf32, #tpu.memory_space<vmem>>)
      %dma_wait3A_57 = arith.constant 0 : i32
      %dma_wait3A_58 = tpu.memref_slice %arg5[%dma_wait3A_57] : memref<4194304xi32, #tpu.memory_space<hbm>> -> memref<2048xi32, #tpu.memory_space<hbm>>
      %dma_wait3A_59 = arith.constant 0 : i32
      %dma_wait3A_60 = tpu.memref_slice %arg5[%dma_wait3A_59] : memref<4194304xi32, #tpu.memory_space<hbm>> -> memref<2048xi32, #tpu.memory_space<hbm>>
      tpu.wait_dma2 semaphore(%arg30 : memref<!tpu.dma_semaphore, #tpu.memory_space<semaphore_mem>>) src(%dma_wait3A_60 : memref<2048xi32, #tpu.memory_space<hbm>>) dst(%arg12 : memref<2048xi32, #tpu.memory_space<vmem>>)
      %dma_wait3A_61 = arith.constant 0 : i32
      %dma_wait3A_62 = tpu.memref_slice %arg4[%dma_wait3A_61] : memref<4194304xi32, #tpu.memory_space<hbm>> -> memref<2048xi32, #tpu.memory_space<hbm>>
      %dma_wait3A_63 = arith.constant 0 : i32
      %dma_wait3A_64 = tpu.memref_slice %arg4[%dma_wait3A_63] : memref<4194304xi32, #tpu.memory_space<hbm>> -> memref<2048xi32, #tpu.memory_space<hbm>>
      tpu.wait_dma2 semaphore(%arg30 : memref<!tpu.dma_semaphore, #tpu.memory_space<semaphore_mem>>) src(%dma_wait3A_64 : memref<2048xi32, #tpu.memory_space<hbm>>) dst(%arg16 : memref<2048xi32, #tpu.memory_space<vmem>>)
      %parallel_loop3A_65 = arith.constant 0 : i32
      %parallel_loop3A_66 = arith.constant 2048 : i32
      %parallel_loop3A_67 = arith.constant 16 : i32
      scf.for %parallel_loop3A_170 = %parallel_loop3A_65 to %parallel_loop3A_66 step %parallel_loop3A_67  : i32 {
        %parallel_loop3A_171 = arith.index_cast %parallel_loop3A_170 : i32 to index
        %parallel_loop3A_172 = tpu.vector_load %arg12[%parallel_loop3A_171] {strides = array<i32>} : memref<2048xi32, #tpu.memory_space<vmem>>, vector<16xi32>,
        %parallel_loop3A_173 = tpu.vector_load_idx %arg7[%parallel_loop3A_172] : memref<65536xf32, #tpu.memory_space<vmem>>[vector<16xi32>], vector<16xf32>,
        %parallel_loop3A_174 = arith.constant 17 : i32
        %parallel_loop3A_175 = arith.muli %parallel_loop3A_174, %parallel_loop3A_170 : i32
        %parallel_loop3A_176 = arith.constant 2047 : i32
        %parallel_loop3A_177 = arith.andi %parallel_loop3A_175, %parallel_loop3A_176 : i32
        %parallel_loop3A_178 = vector.broadcast %parallel_loop3A_177 : i32 to vector<16xi32>
        %parallel_loop3A_179 = arith.addi %mul3A_32, %parallel_loop3A_178 : vector<16xi32>
        %parallel_loop3A_180 = arith.constant 2047 : i32
        %parallel_loop3A_181 = vector.broadcast %parallel_loop3A_180 : i32 to vector<16xi32>
        %parallel_loop3A_182 = arith.andi %parallel_loop3A_179, %parallel_loop3A_181 : vector<16xi32>
        %parallel_loop3A_183 = arith.index_cast %parallel_loop3A_170 : i32 to index
        %parallel_loop3A_184 = tpu.vector_load %arg8[%parallel_loop3A_183] {strides = array<i32>} : memref<2048xf32, #tpu.memory_space<vmem>>, vector<16xf32>,
        %parallel_loop3A_185 = arith.mulf %parallel_loop3A_184, %parallel_loop3A_173 : vector<16xf32>
        tpu.vector_store_idx %arg20[%parallel_loop3A_182], %parallel_loop3A_185 : memref<2048xf32, #tpu.memory_space<vmem>>[vector<16xi32>], vector<16xf32>,
        %parallel_loop3A_186 = arith.index_cast %parallel_loop3A_170 : i32 to index
        %parallel_loop3A_187 = tpu.vector_load %arg16[%parallel_loop3A_186] {strides = array<i32>} : memref<2048xi32, #tpu.memory_space<vmem>>, vector<16xi32>,
        tpu.vector_store_idx %arg24[%parallel_loop3A_182], %parallel_loop3A_187 : memref<2048xi32, #tpu.memory_space<vmem>>[vector<16xi32>], vector<16xi32>,
      } {sc.loop_unroll_factor = 8 : i64, sc.parallel_access}
      %dma_start3A_68 = arith.constant 0 : i32
      %dma_start3A_69 = tpu.memref_slice %arg29[%dma_start3A_68] : memref<65536xf32, #tpu.memory_space<vmem_shared>> -> memref<65536xf32, #tpu.memory_space<vmem_shared>>
      tpu.enqueue_indirect_dma source(%arg20 : memref<2048xf32, #tpu.memory_space<vmem>>) target(%dma_start3A_69 : memref<65536xf32, #tpu.memory_space<vmem_shared>>) offsets(%arg24 : memref<2048xi32, #tpu.memory_space<vmem>>) semaphore(%arg34 : memref<!tpu.dma_semaphore, #tpu.memory_space<semaphore_mem>>) {add = true}
      %ge3A = arith.constant 2 : i32
      %ge3A_70 = arith.cmpi sge, %add3A_52, %ge3A : i32
      %convert_element_type3A = arith.extui %ge3A_70 : i1 to i32
      %cond3A = arith.constant 0 : i32
      %cond3A_71 = arith.cmpi ne, %convert_element_type3A, %cond3A : i32
      scf.if %cond3A_71 {
        %dma_wait3A_170 = arith.constant 0 : i32
        %dma_wait3A_171 = tpu.memref_slice %arg29[%dma_wait3A_170] : memref<65536xf32, #tpu.memory_space<vmem_shared>> -> memref<65536xf32, #tpu.memory_space<vmem_shared>>
        tpu.wait_indirect_dma semaphore(%arg36 : memref<!tpu.dma_semaphore, #tpu.memory_space<semaphore_mem>>) src(%arg22 : memref<2048xf32, #tpu.memory_space<vmem>>) dst(%dma_wait3A_171 : memref<65536xf32, #tpu.memory_space<vmem_shared>>)
      } else {
      }
      %le3A = arith.constant 61 : i32
      %le3A_72 = arith.cmpi sle, %add3A_52, %le3A : i32
      %convert_element_type3A_73 = arith.extui %le3A_72 : i1 to i32
      %cond3A_74 = arith.constant 0 : i32
      %cond3A_75 = arith.cmpi ne, %convert_element_type3A_73, %cond3A_74 : i32
      scf.if %cond3A_75 {
        %add3A_170 = arith.constant 2 : i32
        %add3A_171 = arith.addi %add3A_52, %add3A_170 : i32
        %mul3A_172 = arith.constant 2048 : i32
        %mul3A_173 = arith.muli %add3A_171, %mul3A_172 : i32
        %add3A_174 = arith.addi %mul3A_2, %mul3A_173 : i32
        %dma_start3A_175 = tpu.memref_slice %arg3[%add3A_174] : memref<4194304xf32, #tpu.memory_space<hbm>> -> memref<2048xf32, #tpu.memory_space<hbm>>
        %dma_start3A_176 = tpu.memref_slice %arg3[%add3A_174] : memref<4194304xf32, #tpu.memory_space<hbm>> -> memref<2048xf32, #tpu.memory_space<hbm>>
        tpu.enqueue_dma source(%dma_start3A_176 : memref<2048xf32, #tpu.memory_space<hbm>>) target(%arg10 : memref<2048xf32, #tpu.memory_space<vmem>>) target_semaphore(%arg32 : memref<!tpu.dma_semaphore, #tpu.memory_space<semaphore_mem>>)
        %dma_start3A_177 = tpu.memref_slice %arg5[%add3A_174] : memref<4194304xi32, #tpu.memory_space<hbm>> -> memref<2048xi32, #tpu.memory_space<hbm>>
        %dma_start3A_178 = tpu.memref_slice %arg5[%add3A_174] : memref<4194304xi32, #tpu.memory_space<hbm>> -> memref<2048xi32, #tpu.memory_space<hbm>>
        tpu.enqueue_dma source(%dma_start3A_178 : memref<2048xi32, #tpu.memory_space<hbm>>) target(%arg14 : memref<2048xi32, #tpu.memory_space<vmem>>) target_semaphore(%arg32 : memref<!tpu.dma_semaphore, #tpu.memory_space<semaphore_mem>>)
        %dma_start3A_179 = tpu.memref_slice %arg4[%add3A_174] : memref<4194304xi32, #tpu.memory_space<hbm>> -> memref<2048xi32, #tpu.memory_space<hbm>>
        %dma_start3A_180 = tpu.memref_slice %arg4[%add3A_174] : memref<4194304xi32, #tpu.memory_space<hbm>> -> memref<2048xi32, #tpu.memory_space<hbm>>
        tpu.enqueue_dma source(%dma_start3A_180 : memref<2048xi32, #tpu.memory_space<hbm>>) target(%arg18 : memref<2048xi32, #tpu.memory_space<vmem>>) target_semaphore(%arg32 : memref<!tpu.dma_semaphore, #tpu.memory_space<semaphore_mem>>)
      } else {
      }
      %mul3A_76 = arith.constant 4 : i32
      %mul3A_77 = arith.muli %scan3A_47, %mul3A_76 : i32
      %add3A_78 = arith.constant 1 : i32
      %add3A_79 = arith.addi %mul3A_77, %add3A_78 : i32
      %dma_wait3A_80 = arith.constant 0 : i32
      %dma_wait3A_81 = tpu.memref_slice %arg3[%dma_wait3A_80] : memref<4194304xf32, #tpu.memory_space<hbm>> -> memref<2048xf32, #tpu.memory_space<hbm>>
      %dma_wait3A_82 = arith.constant 0 : i32
      %dma_wait3A_83 = tpu.memref_slice %arg3[%dma_wait3A_82] : memref<4194304xf32, #tpu.memory_space<hbm>> -> memref<2048xf32, #tpu.memory_space<hbm>>
      tpu.wait_dma2 semaphore(%arg31 : memref<!tpu.dma_semaphore, #tpu.memory_space<semaphore_mem>>) src(%dma_wait3A_83 : memref<2048xf32, #tpu.memory_space<hbm>>) dst(%arg9 : memref<2048xf32, #tpu.memory_space<vmem>>)
      %dma_wait3A_84 = arith.constant 0 : i32
      %dma_wait3A_85 = tpu.memref_slice %arg5[%dma_wait3A_84] : memref<4194304xi32, #tpu.memory_space<hbm>> -> memref<2048xi32, #tpu.memory_space<hbm>>
      %dma_wait3A_86 = arith.constant 0 : i32
      %dma_wait3A_87 = tpu.memref_slice %arg5[%dma_wait3A_86] : memref<4194304xi32, #tpu.memory_space<hbm>> -> memref<2048xi32, #tpu.memory_space<hbm>>
      tpu.wait_dma2 semaphore(%arg31 : memref<!tpu.dma_semaphore, #tpu.memory_space<semaphore_mem>>) src(%dma_wait3A_87 : memref<2048xi32, #tpu.memory_space<hbm>>) dst(%arg13 : memref<2048xi32, #tpu.memory_space<vmem>>)
      %dma_wait3A_88 = arith.constant 0 : i32
      %dma_wait3A_89 = tpu.memref_slice %arg4[%dma_wait3A_88] : memref<4194304xi32, #tpu.memory_space<hbm>> -> memref<2048xi32, #tpu.memory_space<hbm>>
      %dma_wait3A_90 = arith.constant 0 : i32
      %dma_wait3A_91 = tpu.memref_slice %arg4[%dma_wait3A_90] : memref<4194304xi32, #tpu.memory_space<hbm>> -> memref<2048xi32, #tpu.memory_space<hbm>>
      tpu.wait_dma2 semaphore(%arg31 : memref<!tpu.dma_semaphore, #tpu.memory_space<semaphore_mem>>) src(%dma_wait3A_91 : memref<2048xi32, #tpu.memory_space<hbm>>) dst(%arg17 : memref<2048xi32, #tpu.memory_space<vmem>>)
      %parallel_loop3A_92 = arith.constant 0 : i32
      %parallel_loop3A_93 = arith.constant 2048 : i32
      %parallel_loop3A_94 = arith.constant 16 : i32
      scf.for %parallel_loop3A_170 = %parallel_loop3A_92 to %parallel_loop3A_93 step %parallel_loop3A_94  : i32 {
        %parallel_loop3A_171 = arith.index_cast %parallel_loop3A_170 : i32 to index
        %parallel_loop3A_172 = tpu.vector_load %arg13[%parallel_loop3A_171] {strides = array<i32>} : memref<2048xi32, #tpu.memory_space<vmem>>, vector<16xi32>,
        %parallel_loop3A_173 = tpu.vector_load_idx %arg7[%parallel_loop3A_172] : memref<65536xf32, #tpu.memory_space<vmem>>[vector<16xi32>], vector<16xf32>,
        %parallel_loop3A_174 = arith.constant 17 : i32
        %parallel_loop3A_175 = arith.muli %parallel_loop3A_174, %parallel_loop3A_170 : i32
        %parallel_loop3A_176 = arith.constant 2047 : i32
        %parallel_loop3A_177 = arith.andi %parallel_loop3A_175, %parallel_loop3A_176 : i32
        %parallel_loop3A_178 = vector.broadcast %parallel_loop3A_177 : i32 to vector<16xi32>
        %parallel_loop3A_179 = arith.addi %mul3A_32, %parallel_loop3A_178 : vector<16xi32>
        %parallel_loop3A_180 = arith.constant 2047 : i32
        %parallel_loop3A_181 = vector.broadcast %parallel_loop3A_180 : i32 to vector<16xi32>
        %parallel_loop3A_182 = arith.andi %parallel_loop3A_179, %parallel_loop3A_181 : vector<16xi32>
        %parallel_loop3A_183 = arith.index_cast %parallel_loop3A_170 : i32 to index
        %parallel_loop3A_184 = tpu.vector_load %arg9[%parallel_loop3A_183] {strides = array<i32>} : memref<2048xf32, #tpu.memory_space<vmem>>, vector<16xf32>,
        %parallel_loop3A_185 = arith.mulf %parallel_loop3A_184, %parallel_loop3A_173 : vector<16xf32>
        tpu.vector_store_idx %arg21[%parallel_loop3A_182], %parallel_loop3A_185 : memref<2048xf32, #tpu.memory_space<vmem>>[vector<16xi32>], vector<16xf32>,
        %parallel_loop3A_186 = arith.index_cast %parallel_loop3A_170 : i32 to index
        %parallel_loop3A_187 = tpu.vector_load %arg17[%parallel_loop3A_186] {strides = array<i32>} : memref<2048xi32, #tpu.memory_space<vmem>>, vector<16xi32>,
        tpu.vector_store_idx %arg25[%parallel_loop3A_182], %parallel_loop3A_187 : memref<2048xi32, #tpu.memory_space<vmem>>[vector<16xi32>], vector<16xi32>,
      } {sc.loop_unroll_factor = 8 : i64, sc.parallel_access}
      %dma_start3A_95 = arith.constant 0 : i32
      %dma_start3A_96 = tpu.memref_slice %arg29[%dma_start3A_95] : memref<65536xf32, #tpu.memory_space<vmem_shared>> -> memref<65536xf32, #tpu.memory_space<vmem_shared>>
      tpu.enqueue_indirect_dma source(%arg21 : memref<2048xf32, #tpu.memory_space<vmem>>) target(%dma_start3A_96 : memref<65536xf32, #tpu.memory_space<vmem_shared>>) offsets(%arg25 : memref<2048xi32, #tpu.memory_space<vmem>>) semaphore(%arg35 : memref<!tpu.dma_semaphore, #tpu.memory_space<semaphore_mem>>) {add = true}
      %ge3A_97 = arith.constant 2 : i32
      %ge3A_98 = arith.cmpi sge, %add3A_79, %ge3A_97 : i32
      %convert_element_type3A_99 = arith.extui %ge3A_98 : i1 to i32
      %cond3A_100 = arith.constant 0 : i32
      %cond3A_101 = arith.cmpi ne, %convert_element_type3A_99, %cond3A_100 : i32
      scf.if %cond3A_101 {
        %dma_wait3A_170 = arith.constant 0 : i32
        %dma_wait3A_171 = tpu.memref_slice %arg29[%dma_wait3A_170] : memref<65536xf32, #tpu.memory_space<vmem_shared>> -> memref<65536xf32, #tpu.memory_space<vmem_shared>>
        tpu.wait_indirect_dma semaphore(%arg37 : memref<!tpu.dma_semaphore, #tpu.memory_space<semaphore_mem>>) src(%arg23 : memref<2048xf32, #tpu.memory_space<vmem>>) dst(%dma_wait3A_171 : memref<65536xf32, #tpu.memory_space<vmem_shared>>)
      } else {
      }
      %le3A_102 = arith.constant 61 : i32
      %le3A_103 = arith.cmpi sle, %add3A_79, %le3A_102 : i32
      %convert_element_type3A_104 = arith.extui %le3A_103 : i1 to i32
      %cond3A_105 = arith.constant 0 : i32
      %cond3A_106 = arith.cmpi ne, %convert_element_type3A_104, %cond3A_105 : i32
      scf.if %cond3A_106 {
        %add3A_170 = arith.constant 2 : i32
        %add3A_171 = arith.addi %add3A_79, %add3A_170 : i32
        %mul3A_172 = arith.constant 2048 : i32
        %mul3A_173 = arith.muli %add3A_171, %mul3A_172 : i32
        %add3A_174 = arith.addi %mul3A_2, %mul3A_173 : i32
        %dma_start3A_175 = tpu.memref_slice %arg3[%add3A_174] : memref<4194304xf32, #tpu.memory_space<hbm>> -> memref<2048xf32, #tpu.memory_space<hbm>>
        %dma_start3A_176 = tpu.memref_slice %arg3[%add3A_174] : memref<4194304xf32, #tpu.memory_space<hbm>> -> memref<2048xf32, #tpu.memory_space<hbm>>
        tpu.enqueue_dma source(%dma_start3A_176 : memref<2048xf32, #tpu.memory_space<hbm>>) target(%arg11 : memref<2048xf32, #tpu.memory_space<vmem>>) target_semaphore(%arg33 : memref<!tpu.dma_semaphore, #tpu.memory_space<semaphore_mem>>)
        %dma_start3A_177 = tpu.memref_slice %arg5[%add3A_174] : memref<4194304xi32, #tpu.memory_space<hbm>> -> memref<2048xi32, #tpu.memory_space<hbm>>
        %dma_start3A_178 = tpu.memref_slice %arg5[%add3A_174] : memref<4194304xi32, #tpu.memory_space<hbm>> -> memref<2048xi32, #tpu.memory_space<hbm>>
        tpu.enqueue_dma source(%dma_start3A_178 : memref<2048xi32, #tpu.memory_space<hbm>>) target(%arg15 : memref<2048xi32, #tpu.memory_space<vmem>>) target_semaphore(%arg33 : memref<!tpu.dma_semaphore, #tpu.memory_space<semaphore_mem>>)
        %dma_start3A_179 = tpu.memref_slice %arg4[%add3A_174] : memref<4194304xi32, #tpu.memory_space<hbm>> -> memref<2048xi32, #tpu.memory_space<hbm>>
        %dma_start3A_180 = tpu.memref_slice %arg4[%add3A_174] : memref<4194304xi32, #tpu.memory_space<hbm>> -> memref<2048xi32, #tpu.memory_space<hbm>>
        tpu.enqueue_dma source(%dma_start3A_180 : memref<2048xi32, #tpu.memory_space<hbm>>) target(%arg19 : memref<2048xi32, #tpu.memory_space<vmem>>) target_semaphore(%arg33 : memref<!tpu.dma_semaphore, #tpu.memory_space<semaphore_mem>>)
      } else {
      }
      %mul3A_107 = arith.constant 4 : i32
      %mul3A_108 = arith.muli %scan3A_47, %mul3A_107 : i32
      %add3A_109 = arith.constant 2 : i32
      %add3A_110 = arith.addi %mul3A_108, %add3A_109 : i32
      %dma_wait3A_111 = arith.constant 0 : i32
      %dma_wait3A_112 = tpu.memref_slice %arg3[%dma_wait3A_111] : memref<4194304xf32, #tpu.memory_space<hbm>> -> memref<2048xf32, #tpu.memory_space<hbm>>
      %dma_wait3A_113 = arith.constant 0 : i32
      %dma_wait3A_114 = tpu.memref_slice %arg3[%dma_wait3A_113] : memref<4194304xf32, #tpu.memory_space<hbm>> -> memref<2048xf32, #tpu.memory_space<hbm>>
      tpu.wait_dma2 semaphore(%arg32 : memref<!tpu.dma_semaphore, #tpu.memory_space<semaphore_mem>>) src(%dma_wait3A_114 : memref<2048xf32, #tpu.memory_space<hbm>>) dst(%arg10 : memref<2048xf32, #tpu.memory_space<vmem>>)
      %dma_wait3A_115 = arith.constant 0 : i32
      %dma_wait3A_116 = tpu.memref_slice %arg5[%dma_wait3A_115] : memref<4194304xi32, #tpu.memory_space<hbm>> -> memref<2048xi32, #tpu.memory_space<hbm>>
      %dma_wait3A_117 = arith.constant 0 : i32
      %dma_wait3A_118 = tpu.memref_slice %arg5[%dma_wait3A_117] : memref<4194304xi32, #tpu.memory_space<hbm>> -> memref<2048xi32, #tpu.memory_space<hbm>>
      tpu.wait_dma2 semaphore(%arg32 : memref<!tpu.dma_semaphore, #tpu.memory_space<semaphore_mem>>) src(%dma_wait3A_118 : memref<2048xi32, #tpu.memory_space<hbm>>) dst(%arg14 : memref<2048xi32, #tpu.memory_space<vmem>>)
      %dma_wait3A_119 = arith.constant 0 : i32
      %dma_wait3A_120 = tpu.memref_slice %arg4[%dma_wait3A_119] : memref<4194304xi32, #tpu.memory_space<hbm>> -> memref<2048xi32, #tpu.memory_space<hbm>>
      %dma_wait3A_121 = arith.constant 0 : i32
      %dma_wait3A_122 = tpu.memref_slice %arg4[%dma_wait3A_121] : memref<4194304xi32, #tpu.memory_space<hbm>> -> memref<2048xi32, #tpu.memory_space<hbm>>
      tpu.wait_dma2 semaphore(%arg32 : memref<!tpu.dma_semaphore, #tpu.memory_space<semaphore_mem>>) src(%dma_wait3A_122 : memref<2048xi32, #tpu.memory_space<hbm>>) dst(%arg18 : memref<2048xi32, #tpu.memory_space<vmem>>)
      %parallel_loop3A_123 = arith.constant 0 : i32
      %parallel_loop3A_124 = arith.constant 2048 : i32
      %parallel_loop3A_125 = arith.constant 16 : i32
      scf.for %parallel_loop3A_170 = %parallel_loop3A_123 to %parallel_loop3A_124 step %parallel_loop3A_125  : i32 {
        %parallel_loop3A_171 = arith.index_cast %parallel_loop3A_170 : i32 to index
        %parallel_loop3A_172 = tpu.vector_load %arg14[%parallel_loop3A_171] {strides = array<i32>} : memref<2048xi32, #tpu.memory_space<vmem>>, vector<16xi32>,
        %parallel_loop3A_173 = tpu.vector_load_idx %arg7[%parallel_loop3A_172] : memref<65536xf32, #tpu.memory_space<vmem>>[vector<16xi32>], vector<16xf32>,
        %parallel_loop3A_174 = arith.constant 17 : i32
        %parallel_loop3A_175 = arith.muli %parallel_loop3A_174, %parallel_loop3A_170 : i32
        %parallel_loop3A_176 = arith.constant 2047 : i32
        %parallel_loop3A_177 = arith.andi %parallel_loop3A_175, %parallel_loop3A_176 : i32
        %parallel_loop3A_178 = vector.broadcast %parallel_loop3A_177 : i32 to vector<16xi32>
        %parallel_loop3A_179 = arith.addi %mul3A_32, %parallel_loop3A_178 : vector<16xi32>
        %parallel_loop3A_180 = arith.constant 2047 : i32
        %parallel_loop3A_181 = vector.broadcast %parallel_loop3A_180 : i32 to vector<16xi32>
        %parallel_loop3A_182 = arith.andi %parallel_loop3A_179, %parallel_loop3A_181 : vector<16xi32>
        %parallel_loop3A_183 = arith.index_cast %parallel_loop3A_170 : i32 to index
        %parallel_loop3A_184 = tpu.vector_load %arg10[%parallel_loop3A_183] {strides = array<i32>} : memref<2048xf32, #tpu.memory_space<vmem>>, vector<16xf32>,
        %parallel_loop3A_185 = arith.mulf %parallel_loop3A_184, %parallel_loop3A_173 : vector<16xf32>
        tpu.vector_store_idx %arg22[%parallel_loop3A_182], %parallel_loop3A_185 : memref<2048xf32, #tpu.memory_space<vmem>>[vector<16xi32>], vector<16xf32>,
        %parallel_loop3A_186 = arith.index_cast %parallel_loop3A_170 : i32 to index
        %parallel_loop3A_187 = tpu.vector_load %arg18[%parallel_loop3A_186] {strides = array<i32>} : memref<2048xi32, #tpu.memory_space<vmem>>, vector<16xi32>,
        tpu.vector_store_idx %arg26[%parallel_loop3A_182], %parallel_loop3A_187 : memref<2048xi32, #tpu.memory_space<vmem>>[vector<16xi32>], vector<16xi32>,
      } {sc.loop_unroll_factor = 8 : i64, sc.parallel_access}
      %dma_start3A_126 = arith.constant 0 : i32
      %dma_start3A_127 = tpu.memref_slice %arg29[%dma_start3A_126] : memref<65536xf32, #tpu.memory_space<vmem_shared>> -> memref<65536xf32, #tpu.memory_space<vmem_shared>>
      tpu.enqueue_indirect_dma source(%arg22 : memref<2048xf32, #tpu.memory_space<vmem>>) target(%dma_start3A_127 : memref<65536xf32, #tpu.memory_space<vmem_shared>>) offsets(%arg26 : memref<2048xi32, #tpu.memory_space<vmem>>) semaphore(%arg36 : memref<!tpu.dma_semaphore, #tpu.memory_space<semaphore_mem>>) {add = true}
      %ge3A_128 = arith.constant 2 : i32
      %ge3A_129 = arith.cmpi sge, %add3A_110, %ge3A_128 : i32
      %convert_element_type3A_130 = arith.extui %ge3A_129 : i1 to i32
      %cond3A_131 = arith.constant 0 : i32
      %cond3A_132 = arith.cmpi ne, %convert_element_type3A_130, %cond3A_131 : i32
      scf.if %cond3A_132 {
        %dma_wait3A_170 = arith.constant 0 : i32
        %dma_wait3A_171 = tpu.memref_slice %arg29[%dma_wait3A_170] : memref<65536xf32, #tpu.memory_space<vmem_shared>> -> memref<65536xf32, #tpu.memory_space<vmem_shared>>
        tpu.wait_indirect_dma semaphore(%arg34 : memref<!tpu.dma_semaphore, #tpu.memory_space<semaphore_mem>>) src(%arg20 : memref<2048xf32, #tpu.memory_space<vmem>>) dst(%dma_wait3A_171 : memref<65536xf32, #tpu.memory_space<vmem_shared>>)
      } else {
      }
      %le3A_133 = arith.constant 61 : i32
      %le3A_134 = arith.cmpi sle, %add3A_110, %le3A_133 : i32
      %convert_element_type3A_135 = arith.extui %le3A_134 : i1 to i32
      %cond3A_136 = arith.constant 0 : i32
      %cond3A_137 = arith.cmpi ne, %convert_element_type3A_135, %cond3A_136 : i32
      scf.if %cond3A_137 {
        %add3A_170 = arith.constant 2 : i32
        %add3A_171 = arith.addi %add3A_110, %add3A_170 : i32
        %mul3A_172 = arith.constant 2048 : i32
        %mul3A_173 = arith.muli %add3A_171, %mul3A_172 : i32
        %add3A_174 = arith.addi %mul3A_2, %mul3A_173 : i32
        %dma_start3A_175 = tpu.memref_slice %arg3[%add3A_174] : memref<4194304xf32, #tpu.memory_space<hbm>> -> memref<2048xf32, #tpu.memory_space<hbm>>
        %dma_start3A_176 = tpu.memref_slice %arg3[%add3A_174] : memref<4194304xf32, #tpu.memory_space<hbm>> -> memref<2048xf32, #tpu.memory_space<hbm>>
        tpu.enqueue_dma source(%dma_start3A_176 : memref<2048xf32, #tpu.memory_space<hbm>>) target(%arg8 : memref<2048xf32, #tpu.memory_space<vmem>>) target_semaphore(%arg30 : memref<!tpu.dma_semaphore, #tpu.memory_space<semaphore_mem>>)
        %dma_start3A_177 = tpu.memref_slice %arg5[%add3A_174] : memref<4194304xi32, #tpu.memory_space<hbm>> -> memref<2048xi32, #tpu.memory_space<hbm>>
        %dma_start3A_178 = tpu.memref_slice %arg5[%add3A_174] : memref<4194304xi32, #tpu.memory_space<hbm>> -> memref<2048xi32, #tpu.memory_space<hbm>>
        tpu.enqueue_dma source(%dma_start3A_178 : memref<2048xi32, #tpu.memory_space<hbm>>) target(%arg12 : memref<2048xi32, #tpu.memory_space<vmem>>) target_semaphore(%arg30 : memref<!tpu.dma_semaphore, #tpu.memory_space<semaphore_mem>>)
        %dma_start3A_179 = tpu.memref_slice %arg4[%add3A_174] : memref<4194304xi32, #tpu.memory_space<hbm>> -> memref<2048xi32, #tpu.memory_space<hbm>>
        %dma_start3A_180 = tpu.memref_slice %arg4[%add3A_174] : memref<4194304xi32, #tpu.memory_space<hbm>> -> memref<2048xi32, #tpu.memory_space<hbm>>
        tpu.enqueue_dma source(%dma_start3A_180 : memref<2048xi32, #tpu.memory_space<hbm>>) target(%arg16 : memref<2048xi32, #tpu.memory_space<vmem>>) target_semaphore(%arg30 : memref<!tpu.dma_semaphore, #tpu.memory_space<semaphore_mem>>)
      } else {
      }
      %mul3A_138 = arith.constant 4 : i32
      %mul3A_139 = arith.muli %scan3A_47, %mul3A_138 : i32
      %add3A_140 = arith.constant 3 : i32
      %add3A_141 = arith.addi %mul3A_139, %add3A_140 : i32
      %dma_wait3A_142 = arith.constant 0 : i32
      %dma_wait3A_143 = tpu.memref_slice %arg3[%dma_wait3A_142] : memref<4194304xf32, #tpu.memory_space<hbm>> -> memref<2048xf32, #tpu.memory_space<hbm>>
      %dma_wait3A_144 = arith.constant 0 : i32
      %dma_wait3A_145 = tpu.memref_slice %arg3[%dma_wait3A_144] : memref<4194304xf32, #tpu.memory_space<hbm>> -> memref<2048xf32, #tpu.memory_space<hbm>>
      tpu.wait_dma2 semaphore(%arg33 : memref<!tpu.dma_semaphore, #tpu.memory_space<semaphore_mem>>) src(%dma_wait3A_145 : memref<2048xf32, #tpu.memory_space<hbm>>) dst(%arg11 : memref<2048xf32, #tpu.memory_space<vmem>>)
      %dma_wait3A_146 = arith.constant 0 : i32
      %dma_wait3A_147 = tpu.memref_slice %arg5[%dma_wait3A_146] : memref<4194304xi32, #tpu.memory_space<hbm>> -> memref<2048xi32, #tpu.memory_space<hbm>>
      %dma_wait3A_148 = arith.constant 0 : i32
      %dma_wait3A_149 = tpu.memref_slice %arg5[%dma_wait3A_148] : memref<4194304xi32, #tpu.memory_space<hbm>> -> memref<2048xi32, #tpu.memory_space<hbm>>
      tpu.wait_dma2 semaphore(%arg33 : memref<!tpu.dma_semaphore, #tpu.memory_space<semaphore_mem>>) src(%dma_wait3A_149 : memref<2048xi32, #tpu.memory_space<hbm>>) dst(%arg15 : memref<2048xi32, #tpu.memory_space<vmem>>)
      %dma_wait3A_150 = arith.constant 0 : i32
      %dma_wait3A_151 = tpu.memref_slice %arg4[%dma_wait3A_150] : memref<4194304xi32, #tpu.memory_space<hbm>> -> memref<2048xi32, #tpu.memory_space<hbm>>
      %dma_wait3A_152 = arith.constant 0 : i32
      %dma_wait3A_153 = tpu.memref_slice %arg4[%dma_wait3A_152] : memref<4194304xi32, #tpu.memory_space<hbm>> -> memref<2048xi32, #tpu.memory_space<hbm>>
      tpu.wait_dma2 semaphore(%arg33 : memref<!tpu.dma_semaphore, #tpu.memory_space<semaphore_mem>>) src(%dma_wait3A_153 : memref<2048xi32, #tpu.memory_space<hbm>>) dst(%arg19 : memref<2048xi32, #tpu.memory_space<vmem>>)
      %parallel_loop3A_154 = arith.constant 0 : i32
      %parallel_loop3A_155 = arith.constant 2048 : i32
      %parallel_loop3A_156 = arith.constant 16 : i32
      scf.for %parallel_loop3A_170 = %parallel_loop3A_154 to %parallel_loop3A_155 step %parallel_loop3A_156  : i32 {
        %parallel_loop3A_171 = arith.index_cast %parallel_loop3A_170 : i32 to index
        %parallel_loop3A_172 = tpu.vector_load %arg15[%parallel_loop3A_171] {strides = array<i32>} : memref<2048xi32, #tpu.memory_space<vmem>>, vector<16xi32>,
        %parallel_loop3A_173 = tpu.vector_load_idx %arg7[%parallel_loop3A_172] : memref<65536xf32, #tpu.memory_space<vmem>>[vector<16xi32>], vector<16xf32>,
        %parallel_loop3A_174 = arith.constant 17 : i32
        %parallel_loop3A_175 = arith.muli %parallel_loop3A_174, %parallel_loop3A_170 : i32
        %parallel_loop3A_176 = arith.constant 2047 : i32
        %parallel_loop3A_177 = arith.andi %parallel_loop3A_175, %parallel_loop3A_176 : i32
        %parallel_loop3A_178 = vector.broadcast %parallel_loop3A_177 : i32 to vector<16xi32>
        %parallel_loop3A_179 = arith.addi %mul3A_32, %parallel_loop3A_178 : vector<16xi32>
        %parallel_loop3A_180 = arith.constant 2047 : i32
        %parallel_loop3A_181 = vector.broadcast %parallel_loop3A_180 : i32 to vector<16xi32>
        %parallel_loop3A_182 = arith.andi %parallel_loop3A_179, %parallel_loop3A_181 : vector<16xi32>
        %parallel_loop3A_183 = arith.index_cast %parallel_loop3A_170 : i32 to index
        %parallel_loop3A_184 = tpu.vector_load %arg11[%parallel_loop3A_183] {strides = array<i32>} : memref<2048xf32, #tpu.memory_space<vmem>>, vector<16xf32>,
        %parallel_loop3A_185 = arith.mulf %parallel_loop3A_184, %parallel_loop3A_173 : vector<16xf32>
        tpu.vector_store_idx %arg23[%parallel_loop3A_182], %parallel_loop3A_185 : memref<2048xf32, #tpu.memory_space<vmem>>[vector<16xi32>], vector<16xf32>,
        %parallel_loop3A_186 = arith.index_cast %parallel_loop3A_170 : i32 to index
        %parallel_loop3A_187 = tpu.vector_load %arg19[%parallel_loop3A_186] {strides = array<i32>} : memref<2048xi32, #tpu.memory_space<vmem>>, vector<16xi32>,
        tpu.vector_store_idx %arg27[%parallel_loop3A_182], %parallel_loop3A_187 : memref<2048xi32, #tpu.memory_space<vmem>>[vector<16xi32>], vector<16xi32>,
      } {sc.loop_unroll_factor = 8 : i64, sc.parallel_access}
      %dma_start3A_157 = arith.constant 0 : i32
      %dma_start3A_158 = tpu.memref_slice %arg29[%dma_start3A_157] : memref<65536xf32, #tpu.memory_space<vmem_shared>> -> memref<65536xf32, #tpu.memory_space<vmem_shared>>
      tpu.enqueue_indirect_dma source(%arg23 : memref<2048xf32, #tpu.memory_space<vmem>>) target(%dma_start3A_158 : memref<65536xf32, #tpu.memory_space<vmem_shared>>) offsets(%arg27 : memref<2048xi32, #tpu.memory_space<vmem>>) semaphore(%arg37 : memref<!tpu.dma_semaphore, #tpu.memory_space<semaphore_mem>>) {add = true}
      %ge3A_159 = arith.constant 2 : i32
      %ge3A_160 = arith.cmpi sge, %add3A_141, %ge3A_159 : i32
      %convert_element_type3A_161 = arith.extui %ge3A_160 : i1 to i32
      %cond3A_162 = arith.constant 0 : i32
      %cond3A_163 = arith.cmpi ne, %convert_element_type3A_161, %cond3A_162 : i32
      scf.if %cond3A_163 {
        %dma_wait3A_170 = arith.constant 0 : i32
        %dma_wait3A_171 = tpu.memref_slice %arg29[%dma_wait3A_170] : memref<65536xf32, #tpu.memory_space<vmem_shared>> -> memref<65536xf32, #tpu.memory_space<vmem_shared>>
        tpu.wait_indirect_dma semaphore(%arg35 : memref<!tpu.dma_semaphore, #tpu.memory_space<semaphore_mem>>) src(%arg21 : memref<2048xf32, #tpu.memory_space<vmem>>) dst(%dma_wait3A_171 : memref<65536xf32, #tpu.memory_space<vmem_shared>>)
      } else {
      }
      %le3A_164 = arith.constant 61 : i32
      %le3A_165 = arith.cmpi sle, %add3A_141, %le3A_164 : i32
      %convert_element_type3A_166 = arith.extui %le3A_165 : i1 to i32
      %cond3A_167 = arith.constant 0 : i32
      %cond3A_168 = arith.cmpi ne, %convert_element_type3A_166, %cond3A_167 : i32
      scf.if %cond3A_168 {
        %add3A_170 = arith.constant 2 : i32
        %add3A_171 = arith.addi %add3A_141, %add3A_170 : i32
        %mul3A_172 = arith.constant 2048 : i32
        %mul3A_173 = arith.muli %add3A_171, %mul3A_172 : i32
        %add3A_174 = arith.addi %mul3A_2, %mul3A_173 : i32
        %dma_start3A_175 = tpu.memref_slice %arg3[%add3A_174] : memref<4194304xf32, #tpu.memory_space<hbm>> -> memref<2048xf32, #tpu.memory_space<hbm>>
        %dma_start3A_176 = tpu.memref_slice %arg3[%add3A_174] : memref<4194304xf32, #tpu.memory_space<hbm>> -> memref<2048xf32, #tpu.memory_space<hbm>>
        tpu.enqueue_dma source(%dma_start3A_176 : memref<2048xf32, #tpu.memory_space<hbm>>) target(%arg9 : memref<2048xf32, #tpu.memory_space<vmem>>) target_semaphore(%arg31 : memref<!tpu.dma_semaphore, #tpu.memory_space<semaphore_mem>>)
        %dma_start3A_177 = tpu.memref_slice %arg5[%add3A_174] : memref<4194304xi32, #tpu.memory_space<hbm>> -> memref<2048xi32, #tpu.memory_space<hbm>>
        %dma_start3A_178 = tpu.memref_slice %arg5[%add3A_174] : memref<4194304xi32, #tpu.memory_space<hbm>> -> memref<2048xi32, #tpu.memory_space<hbm>>
        tpu.enqueue_dma source(%dma_start3A_178 : memref<2048xi32, #tpu.memory_space<hbm>>) target(%arg13 : memref<2048xi32, #tpu.memory_space<vmem>>) target_semaphore(%arg31 : memref<!tpu.dma_semaphore, #tpu.memory_space<semaphore_mem>>)
        %dma_start3A_179 = tpu.memref_slice %arg4[%add3A_174] : memref<4194304xi32, #tpu.memory_space<hbm>> -> memref<2048xi32, #tpu.memory_space<hbm>>
        %dma_start3A_180 = tpu.memref_slice %arg4[%add3A_174] : memref<4194304xi32, #tpu.memory_space<hbm>> -> memref<2048xi32, #tpu.memory_space<hbm>>
        tpu.enqueue_dma source(%dma_start3A_180 : memref<2048xi32, #tpu.memory_space<hbm>>) target(%arg17 : memref<2048xi32, #tpu.memory_space<vmem>>) target_semaphore(%arg31 : memref<!tpu.dma_semaphore, #tpu.memory_space<semaphore_mem>>)
      } else {
      }
      %scan3A_169 = arith.constant 0 : i32
      scf.yield %scan3A_169 : i32
    }
    %scan3A_38 = arith.constant 16 : i32
    %dma_wait3A = arith.constant 0 : i32
    %dma_wait3A_39 = tpu.memref_slice %arg29[%dma_wait3A] : memref<65536xf32, #tpu.memory_space<vmem_shared>> -> memref<65536xf32, #tpu.memory_space<vmem_shared>>
    tpu.wait_indirect_dma semaphore(%arg36 : memref<!tpu.dma_semaphore, #tpu.memory_space<semaphore_mem>>) src(%arg22 : memref<2048xf32, #tpu.memory_space<vmem>>) dst(%dma_wait3A_39 : memref<65536xf32, #tpu.memory_space<vmem_shared>>)
    %dma_wait3A_40 = arith.constant 0 : i32
    %dma_wait3A_41 = tpu.memref_slice %arg29[%dma_wait3A_40] : memref<65536xf32, #tpu.memory_space<vmem_shared>> -> memref<65536xf32, #tpu.memory_space<vmem_shared>>
    tpu.wait_indirect_dma semaphore(%arg37 : memref<!tpu.dma_semaphore, #tpu.memory_space<semaphore_mem>>) src(%arg23 : memref<2048xf32, #tpu.memory_space<vmem>>) dst(%dma_wait3A_41 : memref<65536xf32, #tpu.memory_space<vmem_shared>>)
    %barrier3A_42 = arith.constant 0 : index
    tpu.barrier barrier_id(%barrier3A_42)
    %mul3A_43 = arith.constant 4096 : i32
    %mul3A_44 = arith.muli %arg1, %mul3A_43 : i32
    %mul3A_45 = arith.constant 4096 : i32
    %mul3A_46 = arith.muli %arg1, %mul3A_45 : i32
    "tpu.region"() ({
      %run_scoped3A = tpu.sem_alloc : memref<!tpu.dma_semaphore, #tpu.memory_space<semaphore_mem>>
      %dma_start3A_47 = tpu.memref_slice %arg6[%arg0, %mul3A_46] : memref<2x65536xf32, #tpu.memory_space<hbm>> -> memref<1x4096xf32, #tpu.memory_space<hbm>>
      %dma_start3A_48 = tpu.memref_squeeze %dma_start3A_47 : memref<1x4096xf32, #tpu.memory_space<hbm>> -> memref<4096xf32, #tpu.memory_space<hbm>>
      %dma_start3A_49 = tpu.memref_slice %arg29[%mul3A_44] : memref<65536xf32, #tpu.memory_space<vmem_shared>> -> memref<4096xf32, #tpu.memory_space<vmem_shared>>
      tpu.enqueue_dma source(%dma_start3A_49 : memref<4096xf32, #tpu.memory_space<vmem_shared>>) target(%dma_start3A_48 : memref<4096xf32, #tpu.memory_space<hbm>>) target_semaphore(%run_scoped3A : memref<!tpu.dma_semaphore, #tpu.memory_space<semaphore_mem>>)
      %dma_wait3A_50 = tpu.memref_slice %arg6[%arg0, %mul3A_46] : memref<2x65536xf32, #tpu.memory_space<hbm>> -> memref<1x4096xf32, #tpu.memory_space<hbm>>
      %dma_wait3A_51 = tpu.memref_squeeze %dma_wait3A_50 : memref<1x4096xf32, #tpu.memory_space<hbm>> -> memref<4096xf32, #tpu.memory_space<hbm>>
      %dma_wait3A_52 = tpu.memref_slice %arg29[%mul3A_44] : memref<65536xf32, #tpu.memory_space<vmem_shared>> -> memref<4096xf32, #tpu.memory_space<vmem_shared>>
      tpu.wait_dma2 semaphore(%run_scoped3A : memref<!tpu.dma_semaphore, #tpu.memory_space<semaphore_mem>>) src(%dma_wait3A_52 : memref<4096xf32, #tpu.memory_space<vmem_shared>>) dst(%dma_wait3A_51 : memref<4096xf32, #tpu.memory_space<hbm>>)
      tpu.yield
    }) : () -> ()
    return
  }
}

module attributes {stable_mosaic.version = 14 : i64} {
  func.func @_combine(%arg0: memref<2x512x128xf32, #tpu.memory_space<vmem>>, %arg1: memref<512x128xf32, #tpu.memory_space<vmem>>) attributes {dimension_semantics = [], scalar_prefetch = 0 : i64, scratch_operands = 0 : i64, tpu.core_type = #tpu.core_type<tc>} {
    %get3A = arith.constant 0 : index
    %get3A_0 = arith.constant 0 : index
    %get3A_1 = arith.constant 0 : index
    %get3A_2 = vector.load %arg0[%get3A, %get3A_0, %get3A_1] : memref<2x512x128xf32, #tpu.memory_space<vmem>>, vector<1x512x128xf32>
    %get3A_3 = vector.shape_cast %get3A_2 : vector<1x512x128xf32> to vector<512x128xf32>
    %get3A_4 = arith.constant 1 : index
    %get3A_5 = arith.constant 0 : index
    %get3A_6 = arith.constant 0 : index
    %get3A_7 = vector.load %arg0[%get3A_4, %get3A_5, %get3A_6] : memref<2x512x128xf32, #tpu.memory_space<vmem>>, vector<1x512x128xf32>
    %get3A_8 = vector.shape_cast %get3A_7 : vector<1x512x128xf32> to vector<512x128xf32>
    %add3A = arith.addf %get3A_3, %get3A_8 : vector<512x128xf32>
    %swap3A = arith.constant 0 : index
    %swap3A_9 = arith.constant 0 : index
    %swap3A_10 = vector.load %arg1[%swap3A, %swap3A_9] : memref<512x128xf32, #tpu.memory_space<vmem>>, vector<512x128xf32>
    tpu.vector_store %arg1[%swap3A, %swap3A_9], %add3A {strides = array<i32>} : memref<512x128xf32, #tpu.memory_space<vmem>>, vector<512x128xf32>,
    return
  }
}

</mosaic_0001>

<sc_bundles>
// kernel: kernel.4.cloned.1.call-start
scs
__scs_entry_jumppad:
0x0: {  	(pc) =	sbr.rel $0x88, $3  }
0x1: {  	(tag) =	ssettag $0x0;
	lr =	simm.s32 $0x1  }
0x2: {  	[smem:$0x3F9D] =	sst lr;
	_ =	strace $0xD0000000  }
0x3: {  	_ = 	snop  }
0x4: {  	_ = 	snop  }
0x5: {  	_ = 	snop  }
0x6: {  	_ = 	snop  }
0x7: {  	_ = 	snop  }
__scs_overlays_trampoline_lowered:
0x8: {  	[smem:$0x3FAC] =	sst s0  }
0x9: {  	[smem:$0x3FAD] =	sst s1  }
0xa: {  	[smem:$0x3FAE] =	sst s2  }
0xb: {  	[smem:$0x3FAF] =	sst s3  }
0xc: {  	[smem:$0x3FB0] =	sst s4  }
0xd: {  	[smem:$0x3FB1] =	sst s5  }
0xe: {  	[smem:$0x3FB2] =	sst s6  }
0xf: {  	[smem:$0x3FB3] =	sst s7  }
0x10: {  	[smem:$0x3FB4] =	sst s8  }
0x11: {  	[smem:$0x3FB5] =	sst s9;
	s0 =	simm.s32 @!p0 $0x0  }
0x12: {  	s1 =	sld [smem:$0x3F9B];
	s0 =	simm.s32 @p0 $0x1  }
0x13: {  	[smem:$0x3FB6] =	sst s0;
	s0 =	simm.s32 @!p1 $0x0  }
0x14: {  	s2 =	sld [smem:$0x3F9A];
	s0 =	simm.s32 @p1 $0x1  }
0x15: {  	[smem:$0x3FB7] =	sst s0;
	s0 =	simm.s32 @!p2 $0x0  }
0x16: {  	s3 =	sld [smem:$0x3FDB];
	s0 =	simm.s32 @p2 $0x1  }
0x17: {  	s4 =	simm.s32 $0x1BF5;
	[smem:$0x3FB9] =	sst s0  }
0x18: {  	s0 =	sld [smem:$0x3F9C];
	_ =	swait.ge [sflag:s4], $0x0  }
0x19: {  	s7 =	sld [smem:$0x3F9D]  }
0x1a: {  	s8 =	sadd.s32 $0xFFFFE003, lr  }
0x1b: {  	s9 =	sadd.s32 $0xFFFFFEF7, lr;
	s5 =	simm.s32 $0xFFFFFFFF;
	p2 =	slt.u32 s8, $0xFFFFF086  }
0x1c: {  	p1 =	slt.u32 s9, $0xF7A;
	s5 =	simm.s32 @!p2 $0x0  }
0x1d: {  	s5 =	simm.s32 @p1 $0x1;
	p0 =	seq.s32 s7, s2  }
0x1e: {  	s7 =	smul.u32 @!p0 $0xF7A, s2;
	p2 =	seq.s32 @!p0 s5, $0x0  }
0x1f: {  	s9 =	smul.u32 $0xF7A, s1;
	s8 =	simm.s32 @!p0 $0x1BF5;
	p2 =	por !p2, p0  }
0x20: {  	[sflag:s8] =	ssyncset.s32 @!p0 $0xFFFFF086;
	s6 =	sadd.s32 @!p0 s3, s7;
	s7 =	simm.s32 @!p0 $0x108  }
0x21: {  	s3 =	sadd.s32 s3, s9;
	s6 =	sadd.s32 @!p0 $0x88, s6;
	s7 =	simm.s32 @p2 $0x1082  }
0x22: {  	[simem:s7], [sflag:s8] =	dma.local @!p0 [hbm:s6], $0xF7A  }
0x23: {  	s9 =	sor.u32 $0xD0000000, s2;
	s6 =	simm.s32 $0x108;
	_ =	swait.ge @!p0 [sflag:s8], $0x0  }
0x24: {  	s3 =	sadd.s32 $0x88, s3;
	s6 =	simm.s32 @!p1 $0x1082;
	[sflag:s4] =	ssyncset.s32 $0xFFFFF086  }
0x25: {  	[simem:s6], [sflag:s4] =	dma.local [hbm:s3], $0xF7A  }
0x26: {  	[smem:$0x3F9D] =	sst s1;
	(tag) =	ssettag s2;
	_ =	strace s9  }
0x27: {  	s1 =	sld [smem:$0x3FAD]  }
0x28: {  	s2 =	sld [smem:$0x3FAE]  }
0x29: {  	s4 =	sld [smem:$0x3FB0]  }
0x2a: {  	p0 =	seq.s32 s5, $0x0;
	s5 =	sld [smem:$0x3FB1]  }
0x2b: {  	s6 =	sld [smem:$0x3FB2]  }
0x2c: {  	s7 =	sld [smem:$0x3FB3]  }
0x2d: {  	s3 =	simm.s32 $0x108;
	s8 =	sld [smem:$0x3FB4]  }
0x2e: {  	s3 =	simm.s32 @!p0 $0x1082;
	s9 =	sld [smem:$0x3FB5]  }
0x2f: {  	lr =	sadd.s32 s0, s3;
	s0 =	sld [smem:$0x3FAC]  }
0x30: {  	s3 =	sld [smem:$0x3FAF]  }
0x31: {  	[smem:$0x3FB8] =	sst s10  }
0x32: {  	s10 =	sld [smem:$0x3FB6];
	_ =	sdelay $0x3  }
0x33: {  	p0 =	seq.s32 s10, $0x1;
	s10 =	sld [smem:$0x3FB8];
	_ =	sdelay $0x3  }
0x34: {  	[smem:$0x3FB8] =	sst s10  }
0x35: {  	s10 =	sld [smem:$0x3FB7];
	_ =	sdelay $0x3  }
0x36: {  	p1 =	seq.s32 s10, $0x1;
	s10 =	sld [smem:$0x3FB8];
	_ =	sdelay $0x3  }
0x37: {  	[smem:$0x3FB8] =	sst s10  }
0x38: {  	s10 =	sld [smem:$0x3FB9]  }
0x39: {  	_ = 	snop;
	(pc) =	sbr.ind lr, $3  }
0x3a: {  	_ = 	snop  }
0x3b: {  	_ = 	snop  }
0x3c: {  	p2 =	seq.s32 s10, $0x1;
	s10 =	sld [smem:$0x3FB8]  }
0x3d: {  	_ =	shalt  }
0x3e: {  	_ =	shalt  }
0x3f: {  	_ =	shalt  }
0x40: {  	_ =	shalt  }
0x41: {  	_ =	shalt  }
0x42: {  	_ =	shalt  }
0x43: {  	_ =	shalt  }
0x44: {  	_ =	shalt  }
0x45: {  	_ =	shalt  }
0x46: {  	_ =	shalt  }
0x47: {  	_ =	shalt  }
0x48: {  	_ =	shalt  }
0x49: {  	_ =	shalt  }
0x4a: {  	_ =	shalt  }
0x4b: {  	_ =	shalt  }
0x4c: {  	_ =	shalt  }
0x4d: {  	_ =	shalt  }
0x4e: {  	_ =	shalt  }
0x4f: {  	_ =	shalt  }
0x50: {  	_ =	shalt  }
0x51: {  	_ =	shalt  }
0x52: {  	_ =	shalt  }
0x53: {  	_ =	shalt  }
0x54: {  	_ =	shalt  }
0x55: {  	_ =	shalt  }
0x56: {  	_ =	shalt  }
0x57: {  	_ =	shalt  }
0x58: {  	_ =	shalt  }
0x59: {  	_ =	shalt  }
0x5a: {  	_ =	shalt  }
0x5b: {  	_ =	shalt  }
0x5c: {  	_ =	shalt  }
0x5d: {  	_ =	shalt  }
0x5e: {  	_ =	shalt  }
0x5f: {  	_ =	shalt  }
0x60: {  	_ =	shalt  }
0x61: {  	_ =	shalt  }
0x62: {  	_ =	shalt  }
0x63: {  	_ =	shalt  }
0x64: {  	_ =	shalt  }
0x65: {  	_ =	shalt  }
0x66: {  	_ =	shalt  }
0x67: {  	_ =	shalt  }
0x68: {  	_ =	shalt  }
0x69: {  	_ =	shalt  }
0x6a: {  	_ =	shalt  }
0x6b: {  	_ =	shalt  }
0x6c: {  	_ =	shalt  }
0x6d: {  	_ =	shalt  }
0x6e: {  	_ =	shalt  }
0x6f: {  	_ =	shalt  }
0x70: {  	_ =	shalt  }
0x71: {  	_ =	shalt  }
0x72: {  	_ =	shalt  }
0x73: {  	_ =	shalt  }
0x74: {  	_ =	shalt  }
0x75: {  	_ =	shalt  }
0x76: {  	_ =	shalt  }
0x77: {  	_ =	shalt  }
0x78: {  	_ =	shalt  }
0x79: {  	_ =	shalt  }
0x7a: {  	_ =	shalt  }
0x7b: {  	_ =	shalt  }
0x7c: {  	_ =	shalt  }
0x7d: {  	_ =	shalt  }
0x7e: {  	_ =	shalt  }
0x7f: {  	_ =	shalt  }
0x80: {  	_ =	shalt  }
0x81: {  	_ =	shalt  }
0x82: {  	_ =	shalt  }
0x83: {  	_ =	shalt  }
0x84: {  	_ =	shalt  }
0x85: {  	_ =	shalt  }
0x86: {  	_ =	shalt  }
0x87: {  	_ =	shalt  }
.Lfunc_end0:
.L_simem_size_0:
called_computation_lowered:
.L_overlay_start_0:
0x88: {  	s2 =	sld [smem:$0x3FD9]  }
0x89: {  	s3 =	sld [smem:$0x3FFE];
	_ =	sdelay $0x1  }
0x8a: {  	s1 =	srdreg.scid  }
0x8b: {  	s0 =	sand.u32 $0x1, s1  }
0x8c: {  	s17 =	sshll.u32 s0, $0xA;
	s2 =	sadd.s32 s3, s2  }
0x8d: {  	s2 =	sadd.s32 s2, s17  }
0x8e: {  	[smem:$0x3FC4] =	sst s2  }
0x8f: {  	_ = 	snop  }
0x90: {  	s2 =	sld [smem:$0x3FC9]  }
0x91: {  	s18 =	sld [smem:$0x3FC8]  }
0x92: {  	s4 =	sld [smem:$0x3FC7]  }
0x93: {  	s5 =	sld [smem:$0x3FC6];
	(tm) =	ssettm $0x1  }
0x94: {  	s6 =	sld [smem:$0x3FFB];
	_ =	sdelay $0x3  }
0x95: {  	_ =	strace s6  }
0x96: {  	s6 =	sld [smem:$0x3FFC];
	_ =	sdelay $0x3  }
0x97: {  	_ =	strace s6  }
0x98: {  	s6 =	sld [smem:$0x3FFD];
	_ =	sdelay $0x3  }
0x99: {  	_ =	strace s6  }
0x9a: {  	_ =	strace $0x8FFFFFFF  }
0x9b: {  	s19 =	sld [smem:$0x3FDB];
	_ =	sdelay $0x1  }
0x9c: {  	s7 =	simm.s32 $_scs_section_size  }
0x9d: {  	s8 =	simm.s32 $_size__tile_overlayer_lowered;
	s9 =	simm.s32 $_tile_overlayer_lowered  }
0x9e: {  	s22 =	simm.s32 $0x1BFF;
	s21 =	sshll.u32 s9, $0x1;
	s6 =	sadd.s32 s7, s19  }
0x9f: {  	s10 =	simm.s32 $0x0;
	s20 =	sshll.u32 s8, $0x1;
	s8 =	sadd.s32 s21, s6  }
0xa0: {  	[timem:s10], [sflag:s22] =	dma.local [hbm:s8], s20  }
0xa1: {  	_ =	swait.ge [sflag:s22], s20  }
0xa2: {  	s7 =	ssub.s32 $0x0, s20;
	[sflag:s22] =	ssyncset.done $0x0  }
0xa3: {  	[sflag:s22] =	ssyncadd.s32 s7;
	_ =	sdelay $0x1  }
0xa4: {  	s23 =	simm.s32 $0x1B8B  }
0xa5: {  	_ =	swait.ge [sflag:s23], $0x1  }
0xa6: {  	[sflag:s23] =	ssyncset.done $0x0  }
0xa7: {  	s25 =	simm.s32 $0x1B8E;
	s24 =	sld [smem:$0x3FFE];
	[sflag:s23] =	ssyncadd.s32 $0xFFFFFFFF  }
0xa8: {  	s26 =	simm.s32 $execute0_lowered;
	[smem:$0x3FD2] =	sst s25  }
0xa9: {  	s8 =	sshll.u32 s26, $0x1;
	_ =	strace $0x80000046;
	[dreg:$0x1] =	wrdreg $0xFFFFFFFF  }
0xaa: {  	s28 =	simm.s32 $_size_execute0_lowered;
	s6 =	sadd.s32 s6, s8;
	[dreg:$0x0] =	wrdreg $0x0  }
0xab: {  	s8 =	sshll.u32 s28, $0x1;
	[dreg:$0x2] =	wrdreg s6  }
0xac: {  	[dreg:$0x3] =	wrdreg s8  }
0xad: {  	[dreg:$0x4] =	wrdreg $0xC0  }
0xae: {  	_ =	task [dreg:s10], $0x5FFFF  }
0xaf: {  	[dreg:$0x1] =	wrdreg $0xFFFFFFFF  }
0xb0: {  	[dreg:$0x0] =	wrdreg $0x60  }
0xb1: {  	[dreg:$0x2] =	wrdreg s2  }
0xb2: {  	[dreg:$0x3] =	wrdreg s18  }
0xb3: {  	[dreg:$0x4] =	wrdreg s4  }
0xb4: {  	[dreg:$0x5] =	wrdreg s5  }
0xb5: {  	[dreg:$0x6] =	wrdreg s24  }
0xb6: {  	[dreg:$0x7] =	wrdreg $0x1A0000  }
0xb7: {  	[dreg:$0x8] =	wrdreg $0x1B0000  }
0xb8: {  	[dreg:$0x9] =	wrdreg $0x9  }
0xb9: {  	_ =	task.clear_ibuf [dreg:s10], $0xAFFFF;
	_ =	strace $0x90000046  }
0xba: {  	s29 =	simm.s32 $0x9;
	_ =	strace $0x80000048  }
0xbb: {  	_ =	swait.ge [sflag:s29], $0x1  }
0xbc: {  	[sflag:s29] =	ssyncadd.s32 $0xFFFFFFFF  }
0xbd: {  	_ =	strace $0x90000048  }
0xbe: {  	_ =	sfence  }
0xbf: {  	s30 =	sld [smem:$0x0];
	_ =	sdelay $0x2  }
0xc0: {  	s31 =	sshll.u32 s1, $0xD;
	s1 =	sshrl.u32 s1, $0x2  }
0xc1: {  	s3 =	sand.u32 $0x4000, s31;
	s1 =	sadd.s32 s1, s30  }
0xc2: {  	s0 =	sor.u32 s3, s0;
	s1 =	sshll.u32 s1, $0x11  }
0xc3: {  	s0 =	sor.u32 s1, s0  }
0xc4: {  	s0 =	sadd.s32 $0x8F2B, s0  }
0xc5: {  	[sflag:s0] =	ssyncadd.remote.s32 $0x1  }
0xc6: {  	_ =	sfence.sel $0xFFFF  }
0xc7: {  	[dreg:$0x0] =	wrdreg $0xFFFFFFFF;
	(pc) =	sbr.abs _section_cstart, $3  }
0xc8: {  	[dreg:$0x1] =	wrdreg $0xFFFFFFFF  }
0xc9: {  	_ =	task.clear_ibuf [dreg:s10], $0x2FFFF;
	_ =	strace $0x9FFFFFFF  }
0xca: {  	(tm) =	ssettm $0x7FFFFFFF  }
0xcb: {  	_ =	shalt  }
tec
execute0_lowered:
.L_overlay_start_1:
0x0: {  	(tag) =	ssettag $0x1  }
0x1: {  	s0 =	rddreg [dreg:$0x0]  }
0x2: {  	s29 =	rddreg [dreg:$0x1]  }
0x3: {  	s3 =	rddreg [dreg:$0x2]  }
0x4: {  	s1 =	rddreg [dreg:$0x3]  }
0x5: {  	s4 =	rddreg [dreg:$0x4]  }
0x6: {  	s2 =	rddreg [dreg:$0x5]  }
0x7: {  	s5 =	rddreg [dreg:$0x6];
	s6 =	srdreg.scid;
	s7 =	simm.s32 $0x0  }
0x8: {  	s11 =	stileid.u32;
	s30 =	simm.s32 $0x2;
	s6 =	sand.u32 $0x1, s6  }
0x9: {  	[smem:$0x7FF] =	sst s7;
	s9 =	sshll.u32 s11, $0x11;
	s18 =	sshll.u32 s11, $0xC  }
0xa: {  	s21 =	sshll.u32 s11, $0x9;
	s22 =	sshll.u32 s11, $0x6;
	s24 =	sshll.u32 s11, $0xA  }
0xb: {  	s11 =	simm.s32 $0x9;
	s8 =	sshll.u32 s6, $0x15;
	_ =	strace $0x80000047  }
0xc: {  	s10 =	ssub.s32 $0x2, s6;
	s6 =	sshll.u32 s6, $0x4;
	s20 =	sadd.s32 s18, s2  }
0xd: {  	s0 =	sadd.s32 s0, s21;
	s2 =	sadd.s32 s18, s5;
	s5 =	sor.u32 $0x1C09, s22  }
0xe: {  	s21 =	simm.s32 $0x4;
	s22 =	simm.s32 $0x17800;
	[dreg:$0xf] =	wrdreg s0  }
0xf: {  	s12 =	sor.u32 s9, s8;
	s31 =	sshrl.u32 s10, $0x1;
	[dreg:$0x10] =	wrdreg s2  }
0x10: {  	s4 =	sadd.s32 s6, s4;
	s23 =	sadd.s32 $0x800, s2;
	[dreg:$0x11] =	wrdreg s5  }
0x11: {  	s6 =	simm.s32 $0x1;
	s8 =	simm.s32 $0x0;
	[dreg:$0x12] =	wrdreg s23  }
0x12: {  	s9 =	sshrl.u32 s12, $0x3;
	s25 =	sor.u32 $0x2000, s12;
	[dreg:$0x8] =	wrdreg s12  }
0x13: {  	s13 =	ssub.s32 s10, s31;
	s26 =	sor.u32 $0x2800, s12;
	[dreg:$0x13] =	wrdreg s25  }
0x14: {  	s0 =	sadd.s32 s24, s4;
	s31 =	sshrl.u32 s20, $0x3;
	[dreg:$0x14] =	wrdreg s26  }
0x15: {  	s23 =	simm.s32 $0x18000;
	s14 =	sadd.s32 s29, s9;
	[dreg:$0x17] =	wrdreg s31  }
0x16: {  	s24 =	simm.s32 $0x800;
	s15 =	sadd.s32 s1, s9;
	[dreg:$0x9] =	wrdreg s14  }
0x17: {  	s4 =	simm.s32 $0x16800;
	s16 =	sadd.s32 s3, s9;
	[dreg:$0xa] =	wrdreg s15  }
0x18: {  	v0 =	vimm.s32 $0x3B2A1908;
	v1 =	vimm.s32 $0x7F6E5D4C;
	s17 =	sor.u32 $0x100, s9;
	s0 =	sadd.s32 $0x400, s0;
	[dreg:$0xb] =	wrdreg s16  }
0x19: {  	v2 =	vimm.s32 $0x33221100;
	v3 =	vimm.s32 $0x77665544;
	v0 =	vunpack.c.0.s8.s32 v0;
	s28 =	smax.u32 s13, $0x1;
	s13 =	simm.s32 $0x3;
	[dreg:$0x15] =	wrdreg s0  }
0x1a: {  	v1 =	vunpack.c.0.s8.s32 v1;
	v2 =	vunpack.c.0.s8.s32 v2;
	v3 =	vunpack.c.0.s8.s32 v3;
	s25 =	simm.s32 $0x19800;
	s9 =	sadd.s32 s29, s17;
	[dreg:$0x16] =	wrdreg s28  }
0x1b: {  	vm0 =	vcmask $0x1F10;
	s1 =	sadd.s32 s1, s17;
	s19 =	sadd.s32 s3, s17;
	[dreg:$0xc] =	wrdreg s9  }
0x1c: {  	v4 =	vlaneseq.u32;
	v5 =	vsel vm0, v1, v0;
	v2 =	vsel vm0, v3, v2;
	s0 =	simm.s32 $0x16000;
	s14 =	simm.s32 $0x17000;
	[dreg:$0xd] =	wrdreg s1  }
0x1d: {  	v0 =	vimm.f32 $0.0e+00;
	v1 =	vmul.u32 $0x11, v4;
	v2 =	vcombine.low v2, v5;
	s15 =	simm.s32 $0x19000;
	[dreg:$0xe] =	wrdreg s19;
	s9 =	simm.s32 $0x18800  }
.LBB2_1:
0x1e: {  	[dreg:$0x18] =	wrdreg s8  }
0x1f: {  	s1 =	rddreg [dreg:$0x9]  }
0x20: {  	s28 =	rddreg [dreg:$0xa]  }
0x21: {  	s26 =	simm.s32 $0x10000;
	s10 =	rddreg [dreg:$0xb]  }
0x22: {  	[tilespmem:s26], [sflag:$0x1] =	stream.linear.gather [hbm4b:s1+s7], $0x800, $0x38;
	[tilespmem:$0x1C000] =	vst v63  }
0x23: {  	s31 =	simm.s32 $0x12000;
	s16 =	rddreg [dreg:$0xc]  }
0x24: {  	[tilespmem:s31], [sflag:$0x1] =	stream.linear.gather [hbm4b:s28+s7], $0x800, $0x38;
	[tilespmem:$0x1C000] =	vst v63  }
0x25: {  	s12 =	simm.s32 $0x14000;
	s18 =	rddreg [dreg:$0xd]  }
0x26: {  	[tilespmem:s12], [sflag:$0x1] =	stream.linear.gather [hbm4b:s10+s7], $0x800, $0x38;
	[tilespmem:$0x1C000] =	vst v63  }
0x27: {  	s17 =	simm.s32 $0x10800;
	s20 =	rddreg [dreg:$0xe]  }
0x28: {  	[tilespmem:s17], [sflag:$0x2] =	stream.linear.gather [hbm4b:s16+s7], $0x800, $0x38;
	[tilespmem:$0x1C000] =	vst v63  }
0x29: {  	s19 =	simm.s32 $0x12800;
	s28 =	rddreg [dreg:$0xf]  }
0x2a: {  	[tilespmem:s19], [sflag:$0x2] =	stream.linear.gather [hbm4b:s18+s7], $0x800, $0x38;
	[tilespmem:$0x1C000] =	vst v63  }
0x2b: {  	s26 =	simm.s32 $0x14800;
	s31 =	rddreg [dreg:$0x17]  }
0x2c: {  	[tilespmem:s26], [sflag:$0x2] =	stream.linear.gather [hbm4b:s20+s7], $0x800, $0x38;
	[tilespmem:$0x1C000] =	vst v63  }
0x2d: {  	[spmem:s31], [sflag:s5] =	dma.local [hbm:s28], $0x200  }
0x2e: {  	_ =	swait.ge [sflag:s11], $0x200  }
0x2f: {  	[sflag:s11] =	ssyncset.done $0x0  }
0x30: {  	s8 =	simm.s32 $0x16040;
	[sflag:s11] =	ssyncadd.s32 $0xFFFFFE00  }
0x31: {  	[tilespmem:s8+$0xFFFFFFC0] =	vst v0  }
0x32: {  	[tilespmem:s8+$0x30] =	vst v0  }
0x33: {  	[tilespmem:s8+$0x20] =	vst v0  }
0x34: {  	[tilespmem:s8+$0x10] =	vst v0  }
0x35: {  	[tilespmem:s8+$0x0] =	vst v0  }
0x36: {  	[tilespmem:s8+$0xFFFFFFF0] =	vst v0  }
0x37: {  	s10 =	simm.s32 $0x0;
	[tilespmem:s8+$0xFFFFFFE0] =	vst v0  }
.LBB2_2:
0x38: {  	s10 =	sadd.s32 $0x80, s10;
	[tilespmem:s8+$0xFFFFFFD0] =	vst v0;
	s8 =	sadd.s32 $0x80, s8  }
0x39: {  	[tilespmem:s8+$0xFFFFFFC0] =	vst v0;
	p0 =	slt.u32 s10, $0x780  }
0x3a: {  	[tilespmem:s8+$0x30] =	vst v0  }
.Ltmp0:
0x3b: {  	[tilespmem:s8+$0x20] =	vst v0;
	(pc) =	sbr.rel @p0 .LBB2_2-.Ltmp0, $4  }
0x3c: {  	[tilespmem:s8+$0x10] =	vst v0  }
0x3d: {  	[tilespmem:s8+$0x0] =	vst v0  }
0x3e: {  	[tilespmem:s8+$0xFFFFFFF0] =	vst v0  }
0x3f: {  	[tilespmem:s8+$0xFFFFFFE0] =	vst v0  }
0x40: {  	[tilespmem:s8+$0xFFFFFFD0] =	vst v0  }
0x41: {  	[spmem:s2] =	stream.linear.scatter [tilespmem:s0], [sflag:$0x9], $0x800, $0x38;
	[tilespmem:$0x1C000] =	vst v63  }
0x42: {  	_ =	swait.ge [sflag:s11], $0x800  }
0x43: {  	[sflag:s11] =	ssyncset.done $0x0  }
0x44: {  	s1 =	rddreg [dreg:$0x12];
	[sflag:s11] =	ssyncadd.s32 $0xFFFFF800  }
0x45: {  	[spmem:s1] =	stream.linear.scatter [tilespmem:s0], [sflag:$0x9], $0x800, $0x38;
	[tilespmem:$0x1C000] =	vst v63  }
0x46: {  	_ =	swait.ge [sflag:s11], $0x800  }
0x47: {  	[sflag:s11] =	ssyncset.done $0x0  }
0x48: {  	[sflag:s11] =	ssyncadd.s32 $0xFFFFF800  }
0x49: {  	[bflag:$0x0] =	sbarrier.arrive $0xFFFF  }
0x4a: {  	s16 =	simm.s32 $0x0;
	s31 =	rddreg [dreg:$0x5]  }
0x4b: {  	[tilespmem:s16], [sflag:$0x9] =	stream.linear.gather [spmem:s31], $0x10000, $0x38;
	[tilespmem:$0x1C000] =	vst v63  }
0x4c: {  	_ =	swait.ge [sflag:s11], $0x10000  }
0x4d: {  	[sflag:s11] =	ssyncset.done $0x0  }
0x4e: {  	[sflag:s11] =	ssyncadd.s32 $0xFFFF0000  }
.LBB2_4:
0x4f: {  	_ =	swait.ge [sflag:s6], $0x800  }
0x50: {  	[sflag:s6] =	ssyncset.done $0x0  }
0x51: {  	[sflag:s6] =	ssyncadd.s32 $0xFFFFF800  }
0x52: {  	_ =	swait.ge [sflag:s6], $0x800  }
0x53: {  	[sflag:s6] =	ssyncset.done $0x0  }
0x54: {  	[sflag:s6] =	ssyncadd.s32 $0xFFFFF800  }
0x55: {  	_ =	swait.ge [sflag:s6], $0x800  }
0x56: {  	[sflag:s6] =	ssyncset.done $0x0  }
0x57: {  	s8 =	simm.s32 $0x12040;
	[sflag:s6] =	ssyncadd.s32 $0xFFFFF800  }
0x58: {  	v3 =	vld [tilespmem:s8+$0x30]  }
0x59: {  	v4 =	vld [tilespmem:s8+$0xFFFFFFD0]  }
0x5a: {  	v5 =	vld [tilespmem:s8+$0xFFFFFFE0]  }
0x5b: {  	v6 =	vld [tilespmem:s8+$0xFFFFFFF0]  }
0x5c: {  	v7 =	vld [tilespmem:s8+$0x0]  }
0x5d: {  	v8 =	vld [tilespmem:s8+$0x10]  }
0x5e: {  	v9 =	vld [tilespmem:s8+$0x20]  }
0x5f: {  	s10 =	simm.s32 $0x10040;
	v10 =	vld [tilespmem:s8+$0xFFFFFFC0]  }
0x60: {  	v11 =	vld [tilespmem:s10+$0x30]  }
0x61: {  	v14 =	vld [tilespmem:s10+$0xFFFFFFC0]  }
0x62: {  	v15 =	vld [tilespmem:s10+$0xFFFFFFD0]  }
0x63: {  	v17 =	vld [tilespmem:s10+$0xFFFFFFE0]  }
0x64: {  	s19 =	simm.s32 $0x120C0;
	v20 =	vld [tilespmem:s10+$0x0]  }
0x65: {  	v61 =	vld [tilespmem:s19+$0xFFFFFFF0]  }
0x66: {  	v23 =	vld [tilespmem:s19+$0x0]  }
0x67: {  	v24 =	vld [tilespmem:s19+$0x10]  }
0x68: {  	v25 =	vld [tilespmem:s19+$0x20]  }
0x69: {  	s28 =	simm.s32 $0x100C0;
	v26 =	vld [tilespmem:s19+$0xFFFFFFC0]  }
0x6a: {  	v28 =	vld [tilespmem:s28+$0x30]  }
0x6b: {  	v63 =	vld [tilespmem:s28+$0x20]  }
0x6c: {  	s26 =	simm.s32 $0x770;
	v3 =	vld.idx.msk [tilespmem:v3+s7+$0x0], $0xffff  }
0x6d: {  	s8 =	sand.u32 $0x7F0, s26;
	v4 =	vld.idx.msk [tilespmem:v4+s7+$0x0], $0xffff  }
0x6e: {  	s31 =	simm.s32 $0x0;
	v12 =	vadd.s32 s8, v1;
	v5 =	vld.idx.msk [tilespmem:v5+s7+$0x0], $0xffff  }
0x6f: {  	s11 =	simm.s32 $0x110;
	v13 =	vadd.s32 s31, v1;
	v12 =	vand.u32 $0x7FF, v12;
	v10 =	vld.idx.msk [tilespmem:v10+s7+$0x0], $0xffff  }
0x70: {  	s1 =	simm.s32 $0x220;
	s11 =	sand.u32 $0x790, s11;
	v13 =	vand.u32 $0x780, v13;
	v6 =	vld.idx.msk [tilespmem:v6+s7+$0x0], $0xffff  }
0x71: {  	s12 =	simm.s32 $0x330;
	v16 =	vadd.s32 s11, v1;
	v13 =	vor.u32 v2, v13;
	s8 =	sand.u32 $0x7A0, s1;
	v7 =	vld.idx.msk [tilespmem:v7+s7+$0x0], $0xffff  }
0x72: {  	s2 =	simm.s32 $0x440;
	s17 =	sand.u32 $0x7B0, s12;
	v16 =	vand.u32 $0x7FF, v16;
	v18 =	vadd.s32 s8, v1;
	v3 =	vmul.f32 v11, v3;
	v11 =	vld [tilespmem:s10+$0xFFFFFFF0]  }
0x73: {  	s11 =	sand.u32 $0x7C0, s2;
	v19 =	vadd.s32 s17, v1;
	v18 =	vand.u32 $0x7FF, v18;
	v8 =	vld.idx.msk [tilespmem:v8+s7+$0x0], $0xffff  }
0x74: {  	s18 =	simm.s32 $0x550;
	v21 =	vadd.s32 s11, v1;
	v19 =	vand.u32 $0x7FF, v19;
	v9 =	vld.idx.msk [tilespmem:v9+s7+$0x0], $0xffff;
	[tilespmem:v12+s0+$0x0] =	vst.idx.msk $0xffff, v3;
	v3 =	vmul.f32 v14, v10  }
0x75: {  	s12 =	sand.u32 $0x7D0, s18;
	v21 =	vand.u32 $0x7FF, v21;
	v4 =	vmul.f32 v15, v4;
	v10 =	vld [tilespmem:s10+$0x10]  }
0x76: {  	v23 =	vld.idx.msk [tilespmem:v23+s7+$0x0], $0xffff;
	v14 =	vadd.s32 s12, v1;
	[tilespmem:v13+s0+$0x0] =	vst.idx.msk $0xffff, v3;
	v3 =	vmul.f32 v17, v5  }
0x77: {  	v24 =	vld.idx.msk [tilespmem:v24+s7+$0x0], $0xffff;
	[tilespmem:v16+s0+$0x0] =	vst.idx.msk $0xffff, v4;
	v14 =	vand.u32 $0x7FF, v14;
	v4 =	vmul.f32 v11, v6  }
0x78: {  	s8 =	simm.s32 $0x14040;
	v15 =	vld [tilespmem:s10+$0x20];
	[tilespmem:v18+s0+$0x0] =	vst.idx.msk $0xffff, v3;
	v3 =	vmul.f32 v20, v7  }
0x79: {  	v22 =	vld [tilespmem:s8+$0x30];
	[tilespmem:v19+s0+$0x0] =	vst.idx.msk $0xffff, v4  }
0x7a: {  	v4 =	vmul.f32 v10, v8;
	[tilespmem:v21+s0+$0x0] =	vst.idx.msk $0xffff, v3;
	v3 =	vld [tilespmem:s19+$0x30]  }
0x7b: {  	v5 =	vld [tilespmem:s8+$0xFFFFFFC0]  }
0x7c: {  	[tilespmem:v14+s0+$0x0] =	vst.idx.msk $0xffff, v4;
	v4 =	vld [tilespmem:s19+$0xFFFFFFD0]  }
0x7d: {  	v6 =	vld [tilespmem:s8+$0xFFFFFFD0]  }
0x7e: {  	v9 =	vmul.f32 v15, v9;
	v15 =	vld [tilespmem:s28+$0xFFFFFFD0]  }
0x7f: {  	v20 =	vld.idx.msk [tilespmem:v61+s7+$0x0], $0xffff  }
0x80: {  	v7 =	vld [tilespmem:s8+$0xFFFFFFE0]  }
0x81: {  	s26 =	simm.s32 $0xFF0;
	v10 =	vld [tilespmem:s19+$0xFFFFFFE0]  }
0x82: {  	s20 =	simm.s32 $0x660;
	s31 =	sand.u32 $0x7F0, s26;
	v27 =	vld.idx.msk [tilespmem:v3+s7+$0x0], $0xffff  }
0x83: {  	s10 =	sand.u32 $0x7E0, s20;
	v8 =	vld [tilespmem:s8+$0xFFFFFFF0];
	v3 =	vadd.s32 s31, v1  }
0x84: {  	v29 =	vld.idx.msk [tilespmem:v4+s7+$0x0], $0xffff;
	v4 =	vadd.s32 s10, v1;
	v31 =	vand.u32 $0x7FF, v3  }
0x85: {  	[tilespmem:v12+s23+$0x0] =	vst.idx.msk $0xffff, v22;
	v12 =	vld.idx.msk [tilespmem:v26+s7+$0x0], $0xffff;
	v3 =	vand.u32 $0x7FF, v4  }
0x86: {  	v11 =	vld [tilespmem:s8+$0x0]  }
0x87: {  	v17 =	vld [tilespmem:s8+$0x10];
	[tilespmem:v13+s23+$0x0] =	vst.idx.msk $0xffff, v5;
	v4 =	vmul.f32 v28, v27  }
0x88: {  	s5 =	smov.u32 s3;
	v13 =	vld [tilespmem:s28+$0xFFFFFFC0];
	[tilespmem:v16+s23+$0x0] =	vst.idx.msk $0xffff, v6;
	s10 =	simm.s32 $0x80  }
0x89: {  	s3 =	smov.u32 s29;
	s29 =	simm.s32 $0x140C0;
	s1 =	simm.s32 $0x990;
	v16 =	vld [tilespmem:s28+$0xFFFFFFE0];
	[tilespmem:v31+s0+$0x0] =	vst.idx.msk $0xffff, v4;
	v4 =	vadd.s32 s10, v1  }
0x8a: {  	s2 =	simm.s32 $0xAA0;
	s11 =	sand.u32 $0x790, s1;
	[tilespmem:v3+s0+$0x0] =	vst.idx.msk $0xffff, v9;
	v9 =	vld [tilespmem:s29+$0x30];
	v4 =	vand.u32 $0x780, v4  }
0x8b: {  	s12 =	sand.u32 $0x7A0, s2;
	v5 =	vadd.s32 s11, v1;
	[tilespmem:v18+s23+$0x0] =	vst.idx.msk $0xffff, v7;
	v30 =	vld.idx.msk [tilespmem:v10+s7+$0x0], $0xffff;
	s31 =	simm.s32 $0xBB0;
	v10 =	vor.u32 v2, v4  }
0x8c: {  	s17 =	simm.s32 $0xCC0;
	v6 =	vadd.s32 s12, v1;
	v18 =	vld [tilespmem:s28+$0xFFFFFFF0];
	[tilespmem:v19+s23+$0x0] =	vst.idx.msk $0xffff, v8;
	s18 =	sand.u32 $0x7B0, s31;
	v4 =	vand.u32 $0x7FF, v5  }
0x8d: {  	s19 =	simm.s32 $0xDD0;
	s11 =	sand.u32 $0x7C0, s17;
	v19 =	vld [tilespmem:s28+$0x0];
	[tilespmem:v21+s23+$0x0] =	vst.idx.msk $0xffff, v11;
	v7 =	vadd.s32 s18, v1;
	v5 =	vand.u32 $0x7FF, v6  }
0x8e: {  	s20 =	simm.s32 $0xEE0;
	v8 =	vadd.s32 s11, v1;
	[tilespmem:v14+s23+$0x0] =	vst.idx.msk $0xffff, v17;
	v11 =	vmul.f32 v13, v12;
	v17 =	vld [tilespmem:s28+$0x10];
	s31 =	sand.u32 $0x7D0, s19;
	v6 =	vand.u32 $0x7FF, v7  }
0x8f: {  	v62 =	vld.idx.msk [tilespmem:v25+s7+$0x0], $0xffff;
	v12 =	vadd.s32 s31, v1;
	s31 =	sand.u32 $0x7E0, s20;
	v13 =	vmul.f32 v15, v29;
	v7 =	vand.u32 $0x7FF, v8;
	[tilespmem:v31+s23+$0x0] =	vst.idx.msk $0xffff, v9  }
0x90: {  	v14 =	vmul.f32 v16, v30;
	v8 =	vand.u32 $0x7FF, v12;
	v9 =	vadd.s32 s31, v1;
	[tilespmem:v10+s0+$0x0] =	vst.idx.msk $0xffff, v11;
	v11 =	vld [tilespmem:s8+$0x20]  }
0x91: {  	v15 =	vmul.f32 v18, v20;
	v9 =	vand.u32 $0x7FF, v9;
	[tilespmem:v4+s0+$0x0] =	vst.idx.msk $0xffff, v13;
	v12 =	vld [tilespmem:s29+$0xFFFFFFC0]  }
0x92: {  	v16 =	vmul.f32 v19, v23;
	[tilespmem:v5+s0+$0x0] =	vst.idx.msk $0xffff, v14;
	v13 =	vld [tilespmem:s29+$0xFFFFFFD0]  }
0x93: {  	v17 =	vmul.f32 v17, v24;
	[tilespmem:v6+s0+$0x0] =	vst.idx.msk $0xffff, v15;
	v14 =	vld [tilespmem:s29+$0xFFFFFFE0]  }
0x94: {  	v18 =	vmul.f32 v63, v62;
	[tilespmem:v7+s0+$0x0] =	vst.idx.msk $0xffff, v16;
	v15 =	vld [tilespmem:s29+$0xFFFFFFF0]  }
0x95: {  	[tilespmem:v8+s0+$0x0] =	vst.idx.msk $0xffff, v17;
	v16 =	vld [tilespmem:s29+$0x0]  }
0x96: {  	s12 =	simm.s32 $0x12140;
	s11 =	simm.s32 $0x140C0;
	v17 =	vld [tilespmem:s29+$0x10];
	[tilespmem:v9+s0+$0x0] =	vst.idx.msk $0xffff, v18  }
.LBB2_5:
0x97: {  	v18 =	vld [tilespmem:s12+$0x30];
	[tilespmem:v10+s23+$0x0] =	vst.idx.msk $0xffff, v12  }
0x98: {  	v10 =	vld [tilespmem:s12+$0xFFFFFFD0];
	[tilespmem:v4+s23+$0x0] =	vst.idx.msk $0xffff, v13  }
0x99: {  	v4 =	vld [tilespmem:s12+$0xFFFFFFE0];
	[tilespmem:v5+s23+$0x0] =	vst.idx.msk $0xffff, v14  }
0x9a: {  	v5 =	vld [tilespmem:s12+$0xFFFFFFF0];
	[tilespmem:v6+s23+$0x0] =	vst.idx.msk $0xffff, v15  }
0x9b: {  	v6 =	vld [tilespmem:s12+$0x0];
	[tilespmem:v7+s23+$0x0] =	vst.idx.msk $0xffff, v16  }
0x9c: {  	v7 =	vld [tilespmem:s12+$0x10];
	[tilespmem:v8+s23+$0x0] =	vst.idx.msk $0xffff, v17  }
0x9d: {  	v12 =	vld [tilespmem:s12+$0x20];
	[tilespmem:v3+s23+$0x0] =	vst.idx.msk $0xffff, v11;
	v3 =	vmov v9  }
0x9e: {  	v8 =	vld [tilespmem:s12+$0xFFFFFFC0]  }
0x9f: {  	s26 =	sadd.s32 $0x880, s26;
	s28 =	sadd.s32 $0x80, s28;
	v9 =	vld.idx.msk [tilespmem:v18+s7+$0x0], $0xffff  }
0xa0: {  	s8 =	sadd.s32 $0xFFFFF9A0, s26;
	s31 =	sadd.s32 $0xFFFFFAB0, s26;
	s19 =	sand.u32 $0x7F0, s26;
	v11 =	vld [tilespmem:s28+$0x30]  }
0xa1: {  	s20 =	sadd.s32 $0xFFFFFBC0, s26;
	s18 =	sadd.s32 $0xFFFFFCD0, s26;
	s17 =	sadd.s32 $0xFFFFFDE0, s26;
	v13 =	vld.idx.msk [tilespmem:v10+s7+$0x0], $0xffff;
	v10 =	vadd.s32 s19, v1  }
0xa2: {  	s8 =	sand.u32 $0x790, s8;
	s19 =	sand.u32 $0x7A0, s31;
	s31 =	sadd.s32 $0xFFFFFEF0, s26;
	v14 =	vld.idx.msk [tilespmem:v4+s7+$0x0], $0xffff;
	v15 =	vand.u32 $0x7FF, v10  }
0xa3: {  	s18 =	sand.u32 $0x7C0, s18;
	s17 =	sand.u32 $0x7D0, s17;
	v4 =	vadd.s32 s8, v1;
	v10 =	vadd.s32 s19, v1;
	s8 =	sand.u32 $0x7B0, s20;
	v16 =	vld.idx.msk [tilespmem:v5+s7+$0x0], $0xffff  }
0xa4: {  	v19 =	vadd.s32 s18, v1;
	v20 =	vadd.s32 s17, v1;
	v17 =	vadd.s32 s8, v1;
	s8 =	sand.u32 $0x7E0, s31;
	v18 =	vld.idx.msk [tilespmem:v6+s7+$0x0], $0xffff  }
0xa5: {  	v4 =	vand.u32 $0x7FF, v4;
	v22 =	vadd.s32 s8, v1;
	v21 =	vld.idx.msk [tilespmem:v7+s7+$0x0], $0xffff;
	v11 =	vmul.f32 v11, v9  }
0xa6: {  	v5 =	vand.u32 $0x7FF, v10;
	v6 =	vand.u32 $0x7FF, v17;
	v7 =	vand.u32 $0x7FF, v19;
	v23 =	vld.idx.msk [tilespmem:v8+s7+$0x0], $0xffff  }
0xa7: {  	s29 =	sadd.s32 $0x80, s29;
	v9 =	vand.u32 $0x7FF, v22;
	v8 =	vand.u32 $0x7FF, v20;
	v17 =	vld.idx.msk [tilespmem:v12+s7+$0x0], $0xffff;
	[tilespmem:v15+s0+$0x0] =	vst.idx.msk $0xffff, v11  }
0xa8: {  	s10 =	sadd.s32 $0x80, s10;
	v11 =	vld [tilespmem:s29+$0x30]  }
0xa9: {  	p0 =	slt.u32 s10, $0x780;
	v10 =	vadd.s32 s10, v1;
	v12 =	vld [tilespmem:s28+$0xFFFFFFC0]  }
0xaa: {  	v10 =	vand.u32 $0x780, v10;
	v19 =	vld [tilespmem:s28+$0xFFFFFFD0]  }
0xab: {  	v10 =	vor.u32 v2, v10;
	v20 =	vld [tilespmem:s28+$0xFFFFFFE0]  }
0xac: {  	v22 =	vld [tilespmem:s28+$0xFFFFFFF0]  }
0xad: {  	v24 =	vld [tilespmem:s28+$0x0];
	[tilespmem:v15+s23+$0x0] =	vst.idx.msk $0xffff, v11  }
0xae: {  	v11 =	vmul.f32 v12, v23;
	v15 =	vld [tilespmem:s28+$0x10]  }
0xaf: {  	v13 =	vmul.f32 v19, v13;
	v19 =	vld [tilespmem:s28+$0x20]  }
0xb0: {  	[tilespmem:v10+s0+$0x0] =	vst.idx.msk $0xffff, v11;
	v14 =	vmul.f32 v20, v14;
	v11 =	vld [tilespmem:s11+$0x20];
	s11 =	smov.u32 s29  }
0xb1: {  	v12 =	vld [tilespmem:s29+$0xFFFFFFC0];
	[tilespmem:v4+s0+$0x0] =	vst.idx.msk $0xffff, v13;
	v16 =	vmul.f32 v22, v16  }
.Ltmp1:
0xb2: {  	v13 =	vld [tilespmem:s29+$0xFFFFFFD0];
	[tilespmem:v5+s0+$0x0] =	vst.idx.msk $0xffff, v14;
	v18 =	vmul.f32 v24, v18;
	(pc) =	sbr.rel @p0 .LBB2_5-.Ltmp1, $4  }
0xb3: {  	v14 =	vld [tilespmem:s29+$0xFFFFFFE0];
	[tilespmem:v6+s0+$0x0] =	vst.idx.msk $0xffff, v16;
	v20 =	vmul.f32 v15, v21  }
0xb4: {  	v15 =	vld [tilespmem:s29+$0xFFFFFFF0];
	[tilespmem:v7+s0+$0x0] =	vst.idx.msk $0xffff, v18;
	v18 =	vmul.f32 v19, v17  }
0xb5: {  	v16 =	vld [tilespmem:s29+$0x0];
	[tilespmem:v8+s0+$0x0] =	vst.idx.msk $0xffff, v20  }
0xb6: {  	s12 =	sadd.s32 $0x80, s12;
	v17 =	vld [tilespmem:s29+$0x10];
	[tilespmem:v9+s0+$0x0] =	vst.idx.msk $0xffff, v18  }
0xb7: {  	_ =	sdelay $0x3  }
0xb8: {  	[tilespmem:v10+s23+$0x0] =	vst.idx.msk $0xffff, v12  }
0xb9: {  	[tilespmem:v4+s23+$0x0] =	vst.idx.msk $0xffff, v13  }
0xba: {  	v4 =	vld [tilespmem:s11+$0x20];
	[tilespmem:v3+s23+$0x0] =	vst.idx.msk $0xffff, v11  }
0xbb: {  	[tilespmem:v5+s23+$0x0] =	vst.idx.msk $0xffff, v14  }
0xbc: {  	[tilespmem:v6+s23+$0x0] =	vst.idx.msk $0xffff, v15  }
0xbd: {  	[tilespmem:v7+s23+$0x0] =	vst.idx.msk $0xffff, v16  }
0xbe: {  	[tilespmem:v8+s23+$0x0] =	vst.idx.msk $0xffff, v17  }
0xbf: {  	s1 =	rddreg [dreg:$0x6];
	p0 =	seq.s32 s16, $0x0;
	[tilespmem:v9+s23+$0x0] =	vst.idx.msk $0xffff, v4  }
0xc0: {  	[spmem:s1] =	stream.indirect.scatter.add.f32 [tilespmem:s0], [sflag:$0x5], $0x1, s23, s24, $0xb8;
	[tilespmem:$0x1C000] =	vst v63  }
0xc1: {  	s31 =	sshll.u32 s16, $0xD;
	s8 =	simm.s32 @!p0 $0x7;
	s11 =	rddreg [dreg:$0x8]  }
0xc2: {  	s10 =	sor.u32 s31, s11;
	_ =	swait.ge @!p0 [sflag:s8], $0x800  }
0xc3: {  	s26 =	sshrl.u32 s10, $0x3;
	[sflag:s8] =	ssyncset.done @!p0 $0x0  }
0xc4: {  	s10 =	sor.u32 $0x200, s26;
	[sflag:s8] =	ssyncadd.s32 @!p0 $0xFFFFF800  }
0xc5: {  	s17 =	simm.s32 $0x11000;
	s12 =	sadd.s32 s3, s10;
	s18 =	rddreg [dreg:$0x3]  }
0xc6: {  	[tilespmem:s17], [sflag:$0x3] =	stream.linear.gather [hbm4b:s12+s7], $0x800, $0x38;
	[tilespmem:$0x1C000] =	vst v63  }
0xc7: {  	s20 =	simm.s32 $0x13000;
	s19 =	sadd.s32 s18, s10  }
0xc8: {  	[tilespmem:s20], [sflag:$0x3] =	stream.linear.gather [hbm4b:s19+s7], $0x800, $0x38;
	[tilespmem:$0x1C000] =	vst v63  }
0xc9: {  	s2 =	sadd.s32 s5, s10;
	s10 =	simm.s32 $0x15000  }
0xca: {  	[tilespmem:s10], [sflag:$0x3] =	stream.linear.gather [hbm4b:s2+s7], $0x800, $0x38;
	[tilespmem:$0x1C000] =	vst v63  }
0xcb: {  	_ =	swait.ge [sflag:s30], $0x800  }
0xcc: {  	[sflag:s30] =	ssyncset.done $0x0  }
0xcd: {  	[sflag:s30] =	ssyncadd.s32 $0xFFFFF800  }
0xce: {  	_ =	swait.ge [sflag:s30], $0x800  }
0xcf: {  	[sflag:s30] =	ssyncset.done $0x0  }
0xd0: {  	[sflag:s30] =	ssyncadd.s32 $0xFFFFF800  }
0xd1: {  	_ =	swait.ge [sflag:s30], $0x800  }
0xd2: {  	[sflag:s30] =	ssyncset.done $0x0  }
0xd3: {  	s11 =	simm.s32 $0x12840;
	[sflag:s30] =	ssyncadd.s32 $0xFFFFF800  }
0xd4: {  	v3 =	vld [tilespmem:s11+$0x30]  }
0xd5: {  	v4 =	vld [tilespmem:s11+$0xFFFFFFD0]  }
0xd6: {  	v5 =	vld [tilespmem:s11+$0xFFFFFFE0]  }
0xd7: {  	v6 =	vld [tilespmem:s11+$0xFFFFFFF0]  }
0xd8: {  	v7 =	vld [tilespmem:s11+$0x0]  }
0xd9: {  	v8 =	vld [tilespmem:s11+$0x10]  }
0xda: {  	v9 =	vld [tilespmem:s11+$0x20]  }
0xdb: {  	s10 =	simm.s32 $0x10840;
	v10 =	vld [tilespmem:s11+$0xFFFFFFC0]  }
0xdc: {  	v11 =	vld [tilespmem:s10+$0x30]  }
0xdd: {  	v14 =	vld [tilespmem:s10+$0xFFFFFFC0]  }
0xde: {  	v15 =	vld [tilespmem:s10+$0xFFFFFFD0]  }
0xdf: {  	s17 =	simm.s32 $0x0;
	v17 =	vld [tilespmem:s10+$0xFFFFFFE0]  }
0xe0: {  	v13 =	vadd.s32 s17, v1;
	s17 =	simm.s32 $0x128C0;
	v20 =	vld [tilespmem:s10+$0x0]  }
0xe1: {  	v61 =	vld [tilespmem:s17+$0xFFFFFFF0]  }
0xe2: {  	v23 =	vld [tilespmem:s17+$0x0]  }
0xe3: {  	v24 =	vld [tilespmem:s17+$0x10]  }
0xe4: {  	v25 =	vld [tilespmem:s17+$0x20]  }
0xe5: {  	s29 =	simm.s32 $0x108C0;
	v26 =	vld [tilespmem:s17+$0xFFFFFFC0]  }
0xe6: {  	v28 =	vld [tilespmem:s29+$0x30]  }
0xe7: {  	v63 =	vld [tilespmem:s29+$0x20]  }
0xe8: {  	s12 =	simm.s32 $0x770;
	v3 =	vld.idx.msk [tilespmem:v3+s7+$0x0], $0xffff  }
0xe9: {  	s8 =	sand.u32 $0x7F0, s12;
	v4 =	vld.idx.msk [tilespmem:v4+s7+$0x0], $0xffff  }
0xea: {  	v12 =	vadd.s32 s8, v1;
	v5 =	vld.idx.msk [tilespmem:v5+s7+$0x0], $0xffff  }
0xeb: {  	s18 =	simm.s32 $0x110;
	v12 =	vand.u32 $0x7FF, v12;
	v10 =	vld.idx.msk [tilespmem:v10+s7+$0x0], $0xffff  }
0xec: {  	s19 =	simm.s32 $0x220;
	v13 =	vand.u32 $0x780, v13;
	s11 =	sand.u32 $0x790, s18;
	v6 =	vld.idx.msk [tilespmem:v6+s7+$0x0], $0xffff  }
0xed: {  	s12 =	simm.s32 $0x330;
	s8 =	sand.u32 $0x7A0, s19;
	v13 =	vor.u32 v2, v13;
	v16 =	vadd.s32 s11, v1;
	v7 =	vld.idx.msk [tilespmem:v7+s7+$0x0], $0xffff  }
0xee: {  	s20 =	simm.s32 $0x440;
	s1 =	sand.u32 $0x7B0, s12;
	v18 =	vadd.s32 s8, v1;
	v16 =	vand.u32 $0x7FF, v16;
	v3 =	vmul.f32 v11, v3;
	v11 =	vld [tilespmem:s10+$0xFFFFFFF0]  }
0xef: {  	v19 =	vadd.s32 s1, v1;
	v18 =	vand.u32 $0x7FF, v18;
	s11 =	sand.u32 $0x7C0, s20;
	v8 =	vld.idx.msk [tilespmem:v8+s7+$0x0], $0xffff  }
0xf0: {  	s2 =	simm.s32 $0x550;
	v19 =	vand.u32 $0x7FF, v19;
	v21 =	vadd.s32 s11, v1;
	v9 =	vld.idx.msk [tilespmem:v9+s7+$0x0], $0xffff;
	[tilespmem:v12+s4+$0x0] =	vst.idx.msk $0xffff, v3;
	v3 =	vmul.f32 v14, v10  }
0xf1: {  	s12 =	sand.u32 $0x7D0, s2;
	v21 =	vand.u32 $0x7FF, v21;
	v4 =	vmul.f32 v15, v4;
	v10 =	vld [tilespmem:s10+$0x10]  }
0xf2: {  	v23 =	vld.idx.msk [tilespmem:v23+s7+$0x0], $0xffff;
	v14 =	vadd.s32 s12, v1;
	[tilespmem:v13+s4+$0x0] =	vst.idx.msk $0xffff, v3;
	v3 =	vmul.f32 v17, v5  }
0xf3: {  	v24 =	vld.idx.msk [tilespmem:v24+s7+$0x0], $0xffff;
	[tilespmem:v16+s4+$0x0] =	vst.idx.msk $0xffff, v4;
	v14 =	vand.u32 $0x7FF, v14;
	v4 =	vmul.f32 v11, v6  }
0xf4: {  	s8 =	simm.s32 $0x14840;
	v15 =	vld [tilespmem:s10+$0x20];
	[tilespmem:v18+s4+$0x0] =	vst.idx.msk $0xffff, v3;
	v3 =	vmul.f32 v20, v7  }
0xf5: {  	v22 =	vld [tilespmem:s8+$0x30];
	[tilespmem:v19+s4+$0x0] =	vst.idx.msk $0xffff, v4  }
0xf6: {  	v4 =	vmul.f32 v10, v8;
	[tilespmem:v21+s4+$0x0] =	vst.idx.msk $0xffff, v3;
	v3 =	vld [tilespmem:s17+$0x30]  }
0xf7: {  	v5 =	vld [tilespmem:s8+$0xFFFFFFC0]  }
0xf8: {  	[tilespmem:v14+s4+$0x0] =	vst.idx.msk $0xffff, v4;
	v4 =	vld [tilespmem:s17+$0xFFFFFFD0]  }
0xf9: {  	v6 =	vld [tilespmem:s8+$0xFFFFFFD0]  }
0xfa: {  	v9 =	vmul.f32 v15, v9;
	v15 =	vld [tilespmem:s29+$0xFFFFFFD0]  }
0xfb: {  	v20 =	vld.idx.msk [tilespmem:v61+s7+$0x0], $0xffff  }
0xfc: {  	v7 =	vld [tilespmem:s8+$0xFFFFFFE0]  }
0xfd: {  	s28 =	simm.s32 $0xFF0;
	v10 =	vld [tilespmem:s17+$0xFFFFFFE0]  }
0xfe: {  	s19 =	sand.u32 $0x7F0, s28;
	s18 =	simm.s32 $0x660;
	v27 =	vld.idx.msk [tilespmem:v3+s7+$0x0], $0xffff  }
0xff: {  	s10 =	sand.u32 $0x7E0, s18;
	v8 =	vld [tilespmem:s8+$0xFFFFFFF0];
	v3 =	vadd.s32 s19, v1  }
0x100: {  	v29 =	vld.idx.msk [tilespmem:v4+s7+$0x0], $0xffff;
	v4 =	vadd.s32 s10, v1;
	v31 =	vand.u32 $0x7FF, v3  }
0x101: {  	[tilespmem:v12+s9+$0x0] =	vst.idx.msk $0xffff, v22;
	v12 =	vld.idx.msk [tilespmem:v26+s7+$0x0], $0xffff;
	v3 =	vand.u32 $0x7FF, v4  }
0x102: {  	v11 =	vld [tilespmem:s8+$0x0]  }
0x103: {  	v17 =	vld [tilespmem:s8+$0x10];
	[tilespmem:v13+s9+$0x0] =	vst.idx.msk $0xffff, v5;
	v4 =	vmul.f32 v28, v27  }
0x104: {  	s11 =	simm.s32 $0x80;
	v13 =	vld [tilespmem:s29+$0xFFFFFFC0];
	[tilespmem:v16+s9+$0x0] =	vst.idx.msk $0xffff, v6  }
0x105: {  	s20 =	simm.s32 $0x990;
	v16 =	vld [tilespmem:s29+$0xFFFFFFE0];
	s10 =	simm.s32 $0x148C0;
	[tilespmem:v31+s4+$0x0] =	vst.idx.msk $0xffff, v4;
	v4 =	vadd.s32 s11, v1  }
0x106: {  	s12 =	sand.u32 $0x790, s20;
	s17 =	simm.s32 $0xAA0;
	[tilespmem:v3+s4+$0x0] =	vst.idx.msk $0xffff, v9;
	v9 =	vld [tilespmem:s10+$0x30];
	v4 =	vand.u32 $0x780, v4  }
0x107: {  	s1 =	simm.s32 $0xBB0;
	v5 =	vadd.s32 s12, v1;
	s17 =	sand.u32 $0x7A0, s17;
	[tilespmem:v18+s9+$0x0] =	vst.idx.msk $0xffff, v7;
	v30 =	vld.idx.msk [tilespmem:v10+s7+$0x0], $0xffff;
	v10 =	vor.u32 v2, v4  }
0x108: {  	s2 =	simm.s32 $0xCC0;
	s12 =	sand.u32 $0x7B0, s1;
	v6 =	vadd.s32 s17, v1;
	v18 =	vld [tilespmem:s29+$0xFFFFFFF0];
	[tilespmem:v19+s9+$0x0] =	vst.idx.msk $0xffff, v8;
	v4 =	vand.u32 $0x7FF, v5  }
0x109: {  	s18 =	simm.s32 $0xDD0;
	s17 =	sand.u32 $0x7C0, s2;
	v7 =	vadd.s32 s12, v1;
	v19 =	vld [tilespmem:s29+$0x0];
	[tilespmem:v21+s9+$0x0] =	vst.idx.msk $0xffff, v11;
	v5 =	vand.u32 $0x7FF, v6  }
0x10a: {  	s12 =	sand.u32 $0x7D0, s18;
	v8 =	vadd.s32 s17, v1;
	[tilespmem:v14+s9+$0x0] =	vst.idx.msk $0xffff, v17;
	v11 =	vmul.f32 v13, v12;
	v17 =	vld [tilespmem:s29+$0x10];
	s19 =	simm.s32 $0xEE0;
	v6 =	vand.u32 $0x7FF, v7  }
0x10b: {  	v62 =	vld.idx.msk [tilespmem:v25+s7+$0x0], $0xffff;
	v12 =	vadd.s32 s12, v1;
	s20 =	sand.u32 $0x7E0, s19;
	v13 =	vmul.f32 v15, v29;
	v7 =	vand.u32 $0x7FF, v8;
	[tilespmem:v31+s9+$0x0] =	vst.idx.msk $0xffff, v9  }
0x10c: {  	v14 =	vmul.f32 v16, v30;
	v8 =	vand.u32 $0x7FF, v12;
	v9 =	vadd.s32 s20, v1;
	[tilespmem:v10+s4+$0x0] =	vst.idx.msk $0xffff, v11;
	v11 =	vld [tilespmem:s8+$0x20]  }
0x10d: {  	v15 =	vmul.f32 v18, v20;
	v9 =	vand.u32 $0x7FF, v9;
	[tilespmem:v4+s4+$0x0] =	vst.idx.msk $0xffff, v13;
	v12 =	vld [tilespmem:s10+$0xFFFFFFC0]  }
0x10e: {  	v16 =	vmul.f32 v19, v23;
	[tilespmem:v5+s4+$0x0] =	vst.idx.msk $0xffff, v14;
	v13 =	vld [tilespmem:s10+$0xFFFFFFD0]  }
0x10f: {  	v17 =	vmul.f32 v17, v24;
	[tilespmem:v6+s4+$0x0] =	vst.idx.msk $0xffff, v15;
	v14 =	vld [tilespmem:s10+$0xFFFFFFE0]  }
0x110: {  	v18 =	vmul.f32 v63, v62;
	[tilespmem:v7+s4+$0x0] =	vst.idx.msk $0xffff, v16;
	v15 =	vld [tilespmem:s10+$0xFFFFFFF0]  }
0x111: {  	[tilespmem:v8+s4+$0x0] =	vst.idx.msk $0xffff, v17;
	v16 =	vld [tilespmem:s10+$0x0]  }
0x112: {  	s12 =	simm.s32 $0x148C0;
	s8 =	simm.s32 $0x12940;
	v17 =	vld [tilespmem:s10+$0x10];
	[tilespmem:v9+s4+$0x0] =	vst.idx.msk $0xffff, v18  }
.LBB2_7:
0x113: {  	v18 =	vld [tilespmem:s8+$0x30];
	[tilespmem:v10+s9+$0x0] =	vst.idx.msk $0xffff, v12  }
0x114: {  	v10 =	vld [tilespmem:s8+$0xFFFFFFD0];
	[tilespmem:v4+s9+$0x0] =	vst.idx.msk $0xffff, v13  }
0x115: {  	v4 =	vld [tilespmem:s8+$0xFFFFFFE0];
	[tilespmem:v5+s9+$0x0] =	vst.idx.msk $0xffff, v14  }
0x116: {  	v5 =	vld [tilespmem:s8+$0xFFFFFFF0];
	[tilespmem:v6+s9+$0x0] =	vst.idx.msk $0xffff, v15  }
0x117: {  	v6 =	vld [tilespmem:s8+$0x0];
	[tilespmem:v7+s9+$0x0] =	vst.idx.msk $0xffff, v16  }
0x118: {  	v7 =	vld [tilespmem:s8+$0x10];
	[tilespmem:v8+s9+$0x0] =	vst.idx.msk $0xffff, v17  }
0x119: {  	v12 =	vld [tilespmem:s8+$0x20];
	[tilespmem:v3+s9+$0x0] =	vst.idx.msk $0xffff, v11;
	v3 =	vmov v9  }
0x11a: {  	v8 =	vld [tilespmem:s8+$0xFFFFFFC0]  }
0x11b: {  	s28 =	sadd.s32 $0x880, s28;
	s29 =	sadd.s32 $0x80, s29;
	v9 =	vld.idx.msk [tilespmem:v18+s7+$0x0], $0xffff  }
0x11c: {  	s17 =	sadd.s32 $0xFFFFF9A0, s28;
	s18 =	sadd.s32 $0xFFFFFAB0, s28;
	s19 =	sand.u32 $0x7F0, s28;
	v11 =	vld [tilespmem:s29+$0x30]  }
0x11d: {  	s20 =	sadd.s32 $0xFFFFFBC0, s28;
	s1 =	sadd.s32 $0xFFFFFCD0, s28;
	s2 =	sadd.s32 $0xFFFFFDE0, s28;
	v13 =	vld.idx.msk [tilespmem:v10+s7+$0x0], $0xffff;
	v10 =	vadd.s32 s19, v1  }
0x11e: {  	s17 =	sand.u32 $0x790, s17;
	s18 =	sand.u32 $0x7A0, s18;
	s19 =	sadd.s32 $0xFFFFFEF0, s28;
	v14 =	vld.idx.msk [tilespmem:v4+s7+$0x0], $0xffff;
	v15 =	vand.u32 $0x7FF, v10  }
0x11f: {  	s1 =	sand.u32 $0x7C0, s1;
	s2 =	sand.u32 $0x7D0, s2;
	v4 =	vadd.s32 s17, v1;
	v10 =	vadd.s32 s18, v1;
	s17 =	sand.u32 $0x7B0, s20;
	v16 =	vld.idx.msk [tilespmem:v5+s7+$0x0], $0xffff  }
0x120: {  	v19 =	vadd.s32 s1, v1;
	v20 =	vadd.s32 s2, v1;
	s1 =	sand.u32 $0x7E0, s19;
	v17 =	vadd.s32 s17, v1;
	v18 =	vld.idx.msk [tilespmem:v6+s7+$0x0], $0xffff  }
0x121: {  	v4 =	vand.u32 $0x7FF, v4;
	v22 =	vadd.s32 s1, v1;
	v21 =	vld.idx.msk [tilespmem:v7+s7+$0x0], $0xffff;
	v11 =	vmul.f32 v11, v9  }
0x122: {  	v5 =	vand.u32 $0x7FF, v10;
	v6 =	vand.u32 $0x7FF, v17;
	v7 =	vand.u32 $0x7FF, v19;
	v23 =	vld.idx.msk [tilespmem:v8+s7+$0x0], $0xffff  }
0x123: {  	s10 =	sadd.s32 $0x80, s10;
	v9 =	vand.u32 $0x7FF, v22;
	v8 =	vand.u32 $0x7FF, v20;
	v17 =	vld.idx.msk [tilespmem:v12+s7+$0x0], $0xffff;
	[tilespmem:v15+s4+$0x0] =	vst.idx.msk $0xffff, v11  }
0x124: {  	s11 =	sadd.s32 $0x80, s11;
	v11 =	vld [tilespmem:s10+$0x30]  }
0x125: {  	p1 =	slt.u32 s11, $0x780;
	v10 =	vadd.s32 s11, v1;
	v12 =	vld [tilespmem:s29+$0xFFFFFFC0]  }
0x126: {  	v10 =	vand.u32 $0x780, v10;
	v19 =	vld [tilespmem:s29+$0xFFFFFFD0]  }
0x127: {  	v10 =	vor.u32 v2, v10;
	v20 =	vld [tilespmem:s29+$0xFFFFFFE0]  }
0x128: {  	v22 =	vld [tilespmem:s29+$0xFFFFFFF0]  }
0x129: {  	v24 =	vld [tilespmem:s29+$0x0];
	[tilespmem:v15+s9+$0x0] =	vst.idx.msk $0xffff, v11  }
0x12a: {  	v11 =	vmul.f32 v12, v23;
	v15 =	vld [tilespmem:s29+$0x10]  }
0x12b: {  	v13 =	vmul.f32 v19, v13;
	v19 =	vld [tilespmem:s29+$0x20]  }
0x12c: {  	[tilespmem:v10+s4+$0x0] =	vst.idx.msk $0xffff, v11;
	v14 =	vmul.f32 v20, v14;
	v11 =	vld [tilespmem:s12+$0x20];
	s12 =	smov.u32 s10  }
0x12d: {  	v12 =	vld [tilespmem:s10+$0xFFFFFFC0];
	[tilespmem:v4+s4+$0x0] =	vst.idx.msk $0xffff, v13;
	v16 =	vmul.f32 v22, v16  }
.Ltmp2:
0x12e: {  	v13 =	vld [tilespmem:s10+$0xFFFFFFD0];
	[tilespmem:v5+s4+$0x0] =	vst.idx.msk $0xffff, v14;
	v18 =	vmul.f32 v24, v18;
	(pc) =	sbr.rel @p1 .LBB2_7-.Ltmp2, $4  }
0x12f: {  	v14 =	vld [tilespmem:s10+$0xFFFFFFE0];
	[tilespmem:v6+s4+$0x0] =	vst.idx.msk $0xffff, v16;
	v20 =	vmul.f32 v15, v21  }
0x130: {  	v15 =	vld [tilespmem:s10+$0xFFFFFFF0];
	[tilespmem:v7+s4+$0x0] =	vst.idx.msk $0xffff, v18;
	v18 =	vmul.f32 v19, v17  }
0x131: {  	v16 =	vld [tilespmem:s10+$0x0];
	[tilespmem:v8+s4+$0x0] =	vst.idx.msk $0xffff, v20  }
0x132: {  	s8 =	sadd.s32 $0x80, s8;
	v17 =	vld [tilespmem:s10+$0x10];
	[tilespmem:v9+s4+$0x0] =	vst.idx.msk $0xffff, v18  }
0x133: {  	_ =	sdelay $0x3  }
0x134: {  	[tilespmem:v10+s9+$0x0] =	vst.idx.msk $0xffff, v12  }
0x135: {  	[tilespmem:v4+s9+$0x0] =	vst.idx.msk $0xffff, v13  }
0x136: {  	v4 =	vld [tilespmem:s12+$0x20];
	[tilespmem:v3+s9+$0x0] =	vst.idx.msk $0xffff, v11  }
0x137: {  	[tilespmem:v5+s9+$0x0] =	vst.idx.msk $0xffff, v14  }
0x138: {  	[tilespmem:v6+s9+$0x0] =	vst.idx.msk $0xffff, v15  }
0x139: {  	[tilespmem:v7+s9+$0x0] =	vst.idx.msk $0xffff, v16  }
0x13a: {  	[tilespmem:v8+s9+$0x0] =	vst.idx.msk $0xffff, v17  }
0x13b: {  	s1 =	rddreg [dreg:$0x6];
	[tilespmem:v9+s9+$0x0] =	vst.idx.msk $0xffff, v4  }
0x13c: {  	[spmem:s1] =	stream.indirect.scatter.add.f32 [tilespmem:s4], [sflag:$0x6], $0x1, s9, s24, $0xb8;
	[tilespmem:$0x1C000] =	vst v63  }
0x13d: {  	s1 =	simm.s32 @!p0 $0x8  }
0x13e: {  	_ =	swait.ge @!p0 [sflag:s1], $0x800  }
0x13f: {  	s2 =	sor.u32 $0x300, s26;
	[sflag:s1] =	ssyncset.done @!p0 $0x0  }
0x140: {  	s19 =	simm.s32 $0x11800;
	s18 =	sadd.s32 s3, s2;
	[sflag:s1] =	ssyncadd.s32 @!p0 $0xFFFFF800  }
0x141: {  	[tilespmem:s19], [sflag:$0x4] =	stream.linear.gather [hbm4b:s18+s7], $0x800, $0x38;
	[tilespmem:$0x1C000] =	vst v63  }
0x142: {  	s20 =	rddreg [dreg:$0x3]  }
0x143: {  	s26 =	simm.s32 $0x13800;
	s1 =	sadd.s32 s20, s2  }
0x144: {  	[tilespmem:s26], [sflag:$0x4] =	stream.linear.gather [hbm4b:s1+s7], $0x800, $0x38;
	[tilespmem:$0x1C000] =	vst v63  }
0x145: {  	s10 =	simm.s32 $0x15800;
	s8 =	sadd.s32 s5, s2  }
0x146: {  	[tilespmem:s10], [sflag:$0x4] =	stream.linear.gather [hbm4b:s8+s7], $0x800, $0x38;
	[tilespmem:$0x1C000] =	vst v63  }
0x147: {  	_ =	swait.ge [sflag:s13], $0x800  }
0x148: {  	[sflag:s13] =	ssyncset.done $0x0  }
0x149: {  	[sflag:s13] =	ssyncadd.s32 $0xFFFFF800  }
0x14a: {  	_ =	swait.ge [sflag:s13], $0x800  }
0x14b: {  	[sflag:s13] =	ssyncset.done $0x0  }
0x14c: {  	[sflag:s13] =	ssyncadd.s32 $0xFFFFF800  }
0x14d: {  	_ =	swait.ge [sflag:s13], $0x800  }
0x14e: {  	[sflag:s13] =	ssyncset.done $0x0  }
0x14f: {  	s11 =	simm.s32 $0x13040;
	[sflag:s13] =	ssyncadd.s32 $0xFFFFF800  }
0x150: {  	v3 =	vld [tilespmem:s11+$0x30]  }
0x151: {  	v4 =	vld [tilespmem:s11+$0xFFFFFFD0]  }
0x152: {  	v5 =	vld [tilespmem:s11+$0xFFFFFFE0]  }
0x153: {  	v6 =	vld [tilespmem:s11+$0xFFFFFFF0]  }
0x154: {  	v7 =	vld [tilespmem:s11+$0x0]  }
0x155: {  	v8 =	vld [tilespmem:s11+$0x10]  }
0x156: {  	v9 =	vld [tilespmem:s11+$0x20]  }
0x157: {  	s12 =	simm.s32 $0x11040;
	v10 =	vld [tilespmem:s11+$0xFFFFFFC0]  }
0x158: {  	v11 =	vld [tilespmem:s12+$0x30]  }
0x159: {  	v14 =	vld [tilespmem:s12+$0xFFFFFFC0]  }
0x15a: {  	v15 =	vld [tilespmem:s12+$0xFFFFFFD0]  }
0x15b: {  	v17 =	vld [tilespmem:s12+$0xFFFFFFE0]  }
0x15c: {  	s28 =	simm.s32 $0x110C0;
	s20 =	simm.s32 $0x440;
	v20 =	vld [tilespmem:s12+$0x0]  }
0x15d: {  	s11 =	sand.u32 $0x7C0, s20;
	v28 =	vld [tilespmem:s28+$0x30]  }
0x15e: {  	v63 =	vld [tilespmem:s28+$0x20];
	v21 =	vadd.s32 s11, v1;
	s11 =	simm.s32 $0x130C0  }
0x15f: {  	v61 =	vld [tilespmem:s11+$0xFFFFFFF0]  }
0x160: {  	v23 =	vld [tilespmem:s11+$0x0]  }
0x161: {  	v24 =	vld [tilespmem:s11+$0x10]  }
0x162: {  	v25 =	vld [tilespmem:s11+$0x20]  }
0x163: {  	v26 =	vld [tilespmem:s11+$0xFFFFFFC0]  }
0x164: {  	s17 =	simm.s32 $0x770;
	v3 =	vld.idx.msk [tilespmem:v3+s7+$0x0], $0xffff  }
0x165: {  	s2 =	sand.u32 $0x7F0, s17;
	v4 =	vld.idx.msk [tilespmem:v4+s7+$0x0], $0xffff  }
0x166: {  	s18 =	simm.s32 $0x0;
	v12 =	vadd.s32 s2, v1;
	v5 =	vld.idx.msk [tilespmem:v5+s7+$0x0], $0xffff  }
0x167: {  	v13 =	vadd.s32 s18, v1;
	v12 =	vand.u32 $0x7FF, v12;
	s8 =	simm.s32 $0x110;
	v10 =	vld.idx.msk [tilespmem:v10+s7+$0x0], $0xffff  }
0x168: {  	s19 =	simm.s32 $0x220;
	v13 =	vand.u32 $0x780, v13;
	s8 =	sand.u32 $0x790, s8;
	v6 =	vld.idx.msk [tilespmem:v6+s7+$0x0], $0xffff  }
0x169: {  	s2 =	sand.u32 $0x7A0, s19;
	v13 =	vor.u32 v2, v13;
	s10 =	simm.s32 $0x330;
	v16 =	vadd.s32 s8, v1;
	v7 =	vld.idx.msk [tilespmem:v7+s7+$0x0], $0xffff  }
0x16a: {  	v18 =	vadd.s32 s2, v1;
	s26 =	sand.u32 $0x7B0, s10;
	v16 =	vand.u32 $0x7FF, v16;
	v3 =	vmul.f32 v11, v3;
	v11 =	vld [tilespmem:s12+$0xFFFFFFF0]  }
0x16b: {  	v18 =	vand.u32 $0x7FF, v18;
	v19 =	vadd.s32 s26, v1;
	v8 =	vld.idx.msk [tilespmem:v8+s7+$0x0], $0xffff  }
0x16c: {  	s29 =	smov.u32 s3;
	s3 =	smov.u32 s5;
	s5 =	simm.s32 $0x550;
	v19 =	vand.u32 $0x7FF, v19;
	v9 =	vld.idx.msk [tilespmem:v9+s7+$0x0], $0xffff;
	[tilespmem:v12+s14+$0x0] =	vst.idx.msk $0xffff, v3;
	v3 =	vmul.f32 v14, v10  }
0x16d: {  	s10 =	sand.u32 $0x7D0, s5;
	v21 =	vand.u32 $0x7FF, v21;
	v4 =	vmul.f32 v15, v4;
	v10 =	vld [tilespmem:s12+$0x10]  }
0x16e: {  	v23 =	vld.idx.msk [tilespmem:v23+s7+$0x0], $0xffff;
	v14 =	vadd.s32 s10, v1;
	[tilespmem:v13+s14+$0x0] =	vst.idx.msk $0xffff, v3;
	v3 =	vmul.f32 v17, v5  }
0x16f: {  	v24 =	vld.idx.msk [tilespmem:v24+s7+$0x0], $0xffff;
	[tilespmem:v16+s14+$0x0] =	vst.idx.msk $0xffff, v4;
	v14 =	vand.u32 $0x7FF, v14;
	v4 =	vmul.f32 v11, v6  }
0x170: {  	s8 =	simm.s32 $0x15040;
	v15 =	vld [tilespmem:s12+$0x20];
	[tilespmem:v18+s14+$0x0] =	vst.idx.msk $0xffff, v3;
	v3 =	vmul.f32 v20, v7  }
0x171: {  	v22 =	vld [tilespmem:s8+$0x30];
	[tilespmem:v19+s14+$0x0] =	vst.idx.msk $0xffff, v4  }
0x172: {  	v4 =	vmul.f32 v10, v8;
	[tilespmem:v21+s14+$0x0] =	vst.idx.msk $0xffff, v3;
	v3 =	vld [tilespmem:s11+$0x30]  }
0x173: {  	v5 =	vld [tilespmem:s8+$0xFFFFFFC0]  }
0x174: {  	[tilespmem:v14+s14+$0x0] =	vst.idx.msk $0xffff, v4;
	v4 =	vld [tilespmem:s11+$0xFFFFFFD0]  }
0x175: {  	v6 =	vld [tilespmem:s8+$0xFFFFFFD0]  }
0x176: {  	v9 =	vmul.f32 v15, v9;
	v15 =	vld [tilespmem:s28+$0xFFFFFFD0]  }
0x177: {  	v20 =	vld.idx.msk [tilespmem:v61+s7+$0x0], $0xffff  }
0x178: {  	v7 =	vld [tilespmem:s8+$0xFFFFFFE0]  }
0x179: {  	s26 =	simm.s32 $0xFF0;
	v10 =	vld [tilespmem:s11+$0xFFFFFFE0]  }
0x17a: {  	s17 =	sand.u32 $0x7F0, s26;
	s12 =	simm.s32 $0x660;
	v27 =	vld.idx.msk [tilespmem:v3+s7+$0x0], $0xffff  }
0x17b: {  	s1 =	sand.u32 $0x7E0, s12;
	v8 =	vld [tilespmem:s8+$0xFFFFFFF0];
	v3 =	vadd.s32 s17, v1  }
0x17c: {  	v29 =	vld.idx.msk [tilespmem:v4+s7+$0x0], $0xffff;
	v4 =	vadd.s32 s1, v1;
	v31 =	vand.u32 $0x7FF, v3  }
0x17d: {  	[tilespmem:v12+s15+$0x0] =	vst.idx.msk $0xffff, v22;
	v12 =	vld.idx.msk [tilespmem:v26+s7+$0x0], $0xffff;
	v3 =	vand.u32 $0x7FF, v4  }
0x17e: {  	v11 =	vld [tilespmem:s8+$0x0]  }
0x17f: {  	v17 =	vld [tilespmem:s8+$0x10];
	[tilespmem:v13+s15+$0x0] =	vst.idx.msk $0xffff, v5;
	v4 =	vmul.f32 v28, v27  }
0x180: {  	s11 =	simm.s32 $0x80;
	v13 =	vld [tilespmem:s28+$0xFFFFFFC0];
	[tilespmem:v16+s15+$0x0] =	vst.idx.msk $0xffff, v6  }
0x181: {  	s18 =	simm.s32 $0x990;
	s10 =	simm.s32 $0x150C0;
	v16 =	vld [tilespmem:s28+$0xFFFFFFE0];
	[tilespmem:v31+s14+$0x0] =	vst.idx.msk $0xffff, v4;
	v4 =	vadd.s32 s11, v1  }
0x182: {  	s19 =	simm.s32 $0xAA0;
	s1 =	sand.u32 $0x790, s18;
	[tilespmem:v3+s14+$0x0] =	vst.idx.msk $0xffff, v9;
	v9 =	vld [tilespmem:s10+$0x30];
	v4 =	vand.u32 $0x780, v4  }
0x183: {  	s2 =	sand.u32 $0x7A0, s19;
	s20 =	simm.s32 $0xBB0;
	[tilespmem:v18+s15+$0x0] =	vst.idx.msk $0xffff, v7;
	v30 =	vld.idx.msk [tilespmem:v10+s7+$0x0], $0xffff;
	v5 =	vadd.s32 s1, v1;
	v10 =	vor.u32 v2, v4  }
0x184: {  	s5 =	simm.s32 $0xCC0;
	v6 =	vadd.s32 s2, v1;
	v18 =	vld [tilespmem:s28+$0xFFFFFFF0];
	[tilespmem:v19+s15+$0x0] =	vst.idx.msk $0xffff, v8;
	s17 =	sand.u32 $0x7B0, s20;
	v4 =	vand.u32 $0x7FF, v5  }
0x185: {  	v19 =	vld [tilespmem:s28+$0x0];
	[tilespmem:v21+s15+$0x0] =	vst.idx.msk $0xffff, v11;
	s18 =	simm.s32 $0xDD0;
	v7 =	vadd.s32 s17, v1;
	s1 =	sand.u32 $0x7C0, s5;
	v5 =	vand.u32 $0x7FF, v6  }
0x186: {  	s19 =	simm.s32 $0xEE0;
	[tilespmem:v14+s15+$0x0] =	vst.idx.msk $0xffff, v17;
	v11 =	vmul.f32 v13, v12;
	v17 =	vld [tilespmem:s28+$0x10];
	s12 =	sand.u32 $0x7D0, s18;
	v8 =	vadd.s32 s1, v1;
	v6 =	vand.u32 $0x7FF, v7  }
0x187: {  	v62 =	vld.idx.msk [tilespmem:v25+s7+$0x0], $0xffff;
	s20 =	sand.u32 $0x7E0, s19;
	v12 =	vadd.s32 s12, v1;
	v13 =	vmul.f32 v15, v29;
	v7 =	vand.u32 $0x7FF, v8;
	[tilespmem:v31+s15+$0x0] =	vst.idx.msk $0xffff, v9  }
0x188: {  	v14 =	vmul.f32 v16, v30;
	v8 =	vand.u32 $0x7FF, v12;
	v9 =	vadd.s32 s20, v1;
	[tilespmem:v10+s14+$0x0] =	vst.idx.msk $0xffff, v11;
	v11 =	vld [tilespmem:s8+$0x20]  }
0x189: {  	v15 =	vmul.f32 v18, v20;
	v9 =	vand.u32 $0x7FF, v9;
	[tilespmem:v4+s14+$0x0] =	vst.idx.msk $0xffff, v13;
	v12 =	vld [tilespmem:s10+$0xFFFFFFC0]  }
0x18a: {  	v16 =	vmul.f32 v19, v23;
	[tilespmem:v5+s14+$0x0] =	vst.idx.msk $0xffff, v14;
	v13 =	vld [tilespmem:s10+$0xFFFFFFD0]  }
0x18b: {  	v17 =	vmul.f32 v17, v24;
	[tilespmem:v6+s14+$0x0] =	vst.idx.msk $0xffff, v15;
	v14 =	vld [tilespmem:s10+$0xFFFFFFE0]  }
0x18c: {  	v18 =	vmul.f32 v63, v62;
	[tilespmem:v7+s14+$0x0] =	vst.idx.msk $0xffff, v16;
	v15 =	vld [tilespmem:s10+$0xFFFFFFF0]  }
0x18d: {  	[tilespmem:v8+s14+$0x0] =	vst.idx.msk $0xffff, v17;
	v16 =	vld [tilespmem:s10+$0x0]  }
0x18e: {  	s12 =	simm.s32 $0x150C0;
	s8 =	simm.s32 $0x13140;
	v17 =	vld [tilespmem:s10+$0x10];
	[tilespmem:v9+s14+$0x0] =	vst.idx.msk $0xffff, v18  }
.LBB2_9:
0x18f: {  	v18 =	vld [tilespmem:s8+$0x30];
	[tilespmem:v10+s15+$0x0] =	vst.idx.msk $0xffff, v12  }
0x190: {  	v10 =	vld [tilespmem:s8+$0xFFFFFFD0];
	[tilespmem:v4+s15+$0x0] =	vst.idx.msk $0xffff, v13  }
0x191: {  	v4 =	vld [tilespmem:s8+$0xFFFFFFE0];
	[tilespmem:v5+s15+$0x0] =	vst.idx.msk $0xffff, v14  }
0x192: {  	v5 =	vld [tilespmem:s8+$0xFFFFFFF0];
	[tilespmem:v6+s15+$0x0] =	vst.idx.msk $0xffff, v15  }
0x193: {  	v6 =	vld [tilespmem:s8+$0x0];
	[tilespmem:v7+s15+$0x0] =	vst.idx.msk $0xffff, v16  }
0x194: {  	v7 =	vld [tilespmem:s8+$0x10];
	[tilespmem:v8+s15+$0x0] =	vst.idx.msk $0xffff, v17  }
0x195: {  	v12 =	vld [tilespmem:s8+$0x20];
	[tilespmem:v3+s15+$0x0] =	vst.idx.msk $0xffff, v11;
	v3 =	vmov v9  }
0x196: {  	v8 =	vld [tilespmem:s8+$0xFFFFFFC0]  }
0x197: {  	s26 =	sadd.s32 $0x880, s26;
	s28 =	sadd.s32 $0x80, s28;
	v9 =	vld.idx.msk [tilespmem:v18+s7+$0x0], $0xffff  }
0x198: {  	s1 =	sadd.s32 $0xFFFFF9A0, s26;
	s2 =	sadd.s32 $0xFFFFFAB0, s26;
	s17 =	sand.u32 $0x7F0, s26;
	v11 =	vld [tilespmem:s28+$0x30]  }
0x199: {  	s18 =	sadd.s32 $0xFFFFFBC0, s26;
	s19 =	sadd.s32 $0xFFFFFCD0, s26;
	s20 =	sadd.s32 $0xFFFFFDE0, s26;
	v13 =	vld.idx.msk [tilespmem:v10+s7+$0x0], $0xffff;
	v10 =	vadd.s32 s17, v1  }
0x19a: {  	s1 =	sand.u32 $0x790, s1;
	s2 =	sand.u32 $0x7A0, s2;
	s17 =	sadd.s32 $0xFFFFFEF0, s26;
	v14 =	vld.idx.msk [tilespmem:v4+s7+$0x0], $0xffff;
	v15 =	vand.u32 $0x7FF, v10  }
0x19b: {  	v4 =	vadd.s32 s1, v1;
	v10 =	vadd.s32 s2, v1;
	s1 =	sand.u32 $0x7B0, s18;
	s2 =	sand.u32 $0x7C0, s19;
	s18 =	sand.u32 $0x7D0, s20;
	v16 =	vld.idx.msk [tilespmem:v5+s7+$0x0], $0xffff  }
0x19c: {  	v17 =	vadd.s32 s1, v1;
	v19 =	vadd.s32 s2, v1;
	v20 =	vadd.s32 s18, v1;
	s1 =	sand.u32 $0x7E0, s17;
	v18 =	vld.idx.msk [tilespmem:v6+s7+$0x0], $0xffff  }
0x19d: {  	v4 =	vand.u32 $0x7FF, v4;
	v22 =	vadd.s32 s1, v1;
	v21 =	vld.idx.msk [tilespmem:v7+s7+$0x0], $0xffff;
	v11 =	vmul.f32 v11, v9  }
0x19e: {  	v5 =	vand.u32 $0x7FF, v10;
	v6 =	vand.u32 $0x7FF, v17;
	v7 =	vand.u32 $0x7FF, v19;
	v23 =	vld.idx.msk [tilespmem:v8+s7+$0x0], $0xffff  }
0x19f: {  	s10 =	sadd.s32 $0x80, s10;
	v9 =	vand.u32 $0x7FF, v22;
	v8 =	vand.u32 $0x7FF, v20;
	v17 =	vld.idx.msk [tilespmem:v12+s7+$0x0], $0xffff;
	[tilespmem:v15+s14+$0x0] =	vst.idx.msk $0xffff, v11  }
0x1a0: {  	s11 =	sadd.s32 $0x80, s11;
	v11 =	vld [tilespmem:s10+$0x30]  }
0x1a1: {  	p0 =	slt.u32 s11, $0x780;
	v10 =	vadd.s32 s11, v1;
	v12 =	vld [tilespmem:s28+$0xFFFFFFC0]  }
0x1a2: {  	v10 =	vand.u32 $0x780, v10;
	v19 =	vld [tilespmem:s28+$0xFFFFFFD0]  }
0x1a3: {  	v10 =	vor.u32 v2, v10;
	v20 =	vld [tilespmem:s28+$0xFFFFFFE0]  }
0x1a4: {  	v22 =	vld [tilespmem:s28+$0xFFFFFFF0]  }
0x1a5: {  	v24 =	vld [tilespmem:s28+$0x0];
	[tilespmem:v15+s15+$0x0] =	vst.idx.msk $0xffff, v11  }
0x1a6: {  	v11 =	vmul.f32 v12, v23;
	v15 =	vld [tilespmem:s28+$0x10]  }
0x1a7: {  	v13 =	vmul.f32 v19, v13;
	v19 =	vld [tilespmem:s28+$0x20]  }
0x1a8: {  	[tilespmem:v10+s14+$0x0] =	vst.idx.msk $0xffff, v11;
	v14 =	vmul.f32 v20, v14;
	v11 =	vld [tilespmem:s12+$0x20];
	s12 =	smov.u32 s10  }
0x1a9: {  	v12 =	vld [tilespmem:s10+$0xFFFFFFC0];
	[tilespmem:v4+s14+$0x0] =	vst.idx.msk $0xffff, v13;
	v16 =	vmul.f32 v22, v16  }
.Ltmp3:
0x1aa: {  	v13 =	vld [tilespmem:s10+$0xFFFFFFD0];
	[tilespmem:v5+s14+$0x0] =	vst.idx.msk $0xffff, v14;
	v18 =	vmul.f32 v24, v18;
	(pc) =	sbr.rel @p0 .LBB2_9-.Ltmp3, $4  }
0x1ab: {  	v14 =	vld [tilespmem:s10+$0xFFFFFFE0];
	[tilespmem:v6+s14+$0x0] =	vst.idx.msk $0xffff, v16;
	v20 =	vmul.f32 v15, v21  }
0x1ac: {  	v15 =	vld [tilespmem:s10+$0xFFFFFFF0];
	[tilespmem:v7+s14+$0x0] =	vst.idx.msk $0xffff, v18;
	v18 =	vmul.f32 v19, v17  }
0x1ad: {  	v16 =	vld [tilespmem:s10+$0x0];
	[tilespmem:v8+s14+$0x0] =	vst.idx.msk $0xffff, v20  }
0x1ae: {  	s8 =	sadd.s32 $0x80, s8;
	v17 =	vld [tilespmem:s10+$0x10];
	[tilespmem:v9+s14+$0x0] =	vst.idx.msk $0xffff, v18  }
0x1af: {  	_ =	sdelay $0x3  }
0x1b0: {  	[tilespmem:v10+s15+$0x0] =	vst.idx.msk $0xffff, v12  }
0x1b1: {  	[tilespmem:v4+s15+$0x0] =	vst.idx.msk $0xffff, v13  }
0x1b2: {  	v4 =	vld [tilespmem:s12+$0x20];
	[tilespmem:v3+s15+$0x0] =	vst.idx.msk $0xffff, v11  }
0x1b3: {  	[tilespmem:v5+s15+$0x0] =	vst.idx.msk $0xffff, v14  }
0x1b4: {  	[tilespmem:v6+s15+$0x0] =	vst.idx.msk $0xffff, v15  }
0x1b5: {  	[tilespmem:v7+s15+$0x0] =	vst.idx.msk $0xffff, v16  }
0x1b6: {  	[tilespmem:v8+s15+$0x0] =	vst.idx.msk $0xffff, v17  }
0x1b7: {  	s1 =	rddreg [dreg:$0x6];
	s2 =	simm.s32 $0x5;
	[tilespmem:v9+s15+$0x0] =	vst.idx.msk $0xffff, v4  }
0x1b8: {  	[spmem:s1] =	stream.indirect.scatter.add.f32 [tilespmem:s14], [sflag:$0x7], $0x1, s15, s24, $0xb8;
	[tilespmem:$0x1C000] =	vst v63  }
0x1b9: {  	_ =	swait.ge [sflag:s2], $0x800  }
0x1ba: {  	p0 =	sgt.u32 s16, $0xE;
	s1 =	rddreg [dreg:$0x13]  }
0x1bb: {  	s1 =	sadd.s32 @!p0 s31, s1  }
0x1bc: {  	s8 =	simm.s32 @!p0 $0x0;
	[sflag:s2] =	ssyncset.done $0x0;
	s1 =	sshrl.u32 @!p0 s1, $0x3  }
0x1bd: {  	s10 =	simm.s32 @!p0 $0x10000;
	[sflag:s2] =	ssyncadd.s32 $0xFFFFF800;
	s2 =	sadd.s32 @!p0 s29, s1  }
0x1be: {  	[tilespmem:s10], [sflag:$0x1] =	stream.linear.gather @!p0 [hbm4b:s2+s8], $0x800, $0x38;
	[tilespmem:$0x1C000] =	vst v63  }
0x1bf: {  	s2 =	rddreg [dreg:$0x3]  }
0x1c0: {  	s10 =	simm.s32 @!p0 $0x12000;
	s2 =	sadd.s32 @!p0 s2, s1  }
0x1c1: {  	[tilespmem:s10], [sflag:$0x1] =	stream.linear.gather @!p0 [hbm4b:s2+s8], $0x800, $0x38;
	[tilespmem:$0x1C000] =	vst v63  }
0x1c2: {  	s1 =	sadd.s32 @!p0 s3, s1;
	s2 =	simm.s32 @!p0 $0x14000  }
0x1c3: {  	[tilespmem:s2], [sflag:$0x1] =	stream.linear.gather @!p0 [hbm4b:s1+s8], $0x800, $0x38;
	[tilespmem:$0x1C000] =	vst v63  }
0x1c4: {  	_ =	swait.ge [sflag:s21], $0x800  }
0x1c5: {  	[sflag:s21] =	ssyncset.done $0x0  }
0x1c6: {  	[sflag:s21] =	ssyncadd.s32 $0xFFFFF800  }
0x1c7: {  	_ =	swait.ge [sflag:s21], $0x800  }
0x1c8: {  	[sflag:s21] =	ssyncset.done $0x0  }
0x1c9: {  	[sflag:s21] =	ssyncadd.s32 $0xFFFFF800  }
0x1ca: {  	_ =	swait.ge [sflag:s21], $0x800  }
0x1cb: {  	[sflag:s21] =	ssyncset.done $0x0  }
0x1cc: {  	s10 =	simm.s32 $0x13840;
	[sflag:s21] =	ssyncadd.s32 $0xFFFFF800  }
0x1cd: {  	v3 =	vld [tilespmem:s10+$0x30]  }
0x1ce: {  	v4 =	vld [tilespmem:s10+$0xFFFFFFD0]  }
0x1cf: {  	v5 =	vld [tilespmem:s10+$0xFFFFFFE0]  }
0x1d0: {  	v6 =	vld [tilespmem:s10+$0xFFFFFFF0]  }
0x1d1: {  	v7 =	vld [tilespmem:s10+$0x0]  }
0x1d2: {  	v8 =	vld [tilespmem:s10+$0x10]  }
0x1d3: {  	v9 =	vld [tilespmem:s10+$0x20]  }
0x1d4: {  	s1 =	simm.s32 $0x11840;
	v10 =	vld [tilespmem:s10+$0xFFFFFFC0]  }
0x1d5: {  	v11 =	vld [tilespmem:s1+$0x30]  }
0x1d6: {  	v14 =	vld [tilespmem:s1+$0xFFFFFFC0]  }
0x1d7: {  	s11 =	simm.s32 $0x770;
	s20 =	simm.s32 $0x440;
	v15 =	vld [tilespmem:s1+$0xFFFFFFD0]  }
0x1d8: {  	s2 =	sand.u32 $0x7F0, s11;
	s11 =	sand.u32 $0x7C0, s20;
	v17 =	vld [tilespmem:s1+$0xFFFFFFE0]  }
0x1d9: {  	v21 =	vadd.s32 s11, v1;
	s11 =	simm.s32 $0x138C0;
	v20 =	vld [tilespmem:s1+$0x0]  }
0x1da: {  	v61 =	vld [tilespmem:s11+$0xFFFFFFF0]  }
0x1db: {  	v23 =	vld [tilespmem:s11+$0x0]  }
0x1dc: {  	v24 =	vld [tilespmem:s11+$0x10]  }
0x1dd: {  	v25 =	vld [tilespmem:s11+$0x20]  }
0x1de: {  	s28 =	simm.s32 $0x118C0;
	v26 =	vld [tilespmem:s11+$0xFFFFFFC0]  }
0x1df: {  	v28 =	vld [tilespmem:s28+$0x30]  }
0x1e0: {  	v63 =	vld [tilespmem:s28+$0x20]  }
0x1e1: {  	v3 =	vld.idx.msk [tilespmem:v3+s7+$0x0], $0xffff  }
0x1e2: {  	v4 =	vld.idx.msk [tilespmem:v4+s7+$0x0], $0xffff  }
0x1e3: {  	s12 =	simm.s32 $0x0;
	v12 =	vadd.s32 s2, v1;
	v5 =	vld.idx.msk [tilespmem:v5+s7+$0x0], $0xffff  }
0x1e4: {  	s17 =	simm.s32 $0x110;
	v13 =	vadd.s32 s12, v1;
	v12 =	vand.u32 $0x7FF, v12;
	v10 =	vld.idx.msk [tilespmem:v10+s7+$0x0], $0xffff  }
0x1e5: {  	s18 =	simm.s32 $0x220;
	v13 =	vand.u32 $0x780, v13;
	s8 =	sand.u32 $0x790, s17;
	v6 =	vld.idx.msk [tilespmem:v6+s7+$0x0], $0xffff  }
0x1e6: {  	s19 =	simm.s32 $0x330;
	v13 =	vor.u32 v2, v13;
	s2 =	sand.u32 $0x7A0, s18;
	v16 =	vadd.s32 s8, v1;
	v7 =	vld.idx.msk [tilespmem:v7+s7+$0x0], $0xffff  }
0x1e7: {  	s26 =	sand.u32 $0x7B0, s19;
	v18 =	vadd.s32 s2, v1;
	v16 =	vand.u32 $0x7FF, v16;
	v3 =	vmul.f32 v11, v3;
	v11 =	vld [tilespmem:s1+$0xFFFFFFF0]  }
0x1e8: {  	v19 =	vadd.s32 s26, v1;
	v18 =	vand.u32 $0x7FF, v18;
	v8 =	vld.idx.msk [tilespmem:v8+s7+$0x0], $0xffff  }
0x1e9: {  	s5 =	simm.s32 $0x550;
	v19 =	vand.u32 $0x7FF, v19;
	v9 =	vld.idx.msk [tilespmem:v9+s7+$0x0], $0xffff;
	[tilespmem:v12+s22+$0x0] =	vst.idx.msk $0xffff, v3;
	v3 =	vmul.f32 v14, v10  }
0x1ea: {  	v21 =	vand.u32 $0x7FF, v21;
	s10 =	sand.u32 $0x7D0, s5;
	v4 =	vmul.f32 v15, v4;
	v10 =	vld [tilespmem:s1+$0x10]  }
0x1eb: {  	v23 =	vld.idx.msk [tilespmem:v23+s7+$0x0], $0xffff;
	v14 =	vadd.s32 s10, v1;
	[tilespmem:v13+s22+$0x0] =	vst.idx.msk $0xffff, v3;
	v3 =	vmul.f32 v17, v5  }
0x1ec: {  	v24 =	vld.idx.msk [tilespmem:v24+s7+$0x0], $0xffff;
	[tilespmem:v16+s22+$0x0] =	vst.idx.msk $0xffff, v4;
	v14 =	vand.u32 $0x7FF, v14;
	v4 =	vmul.f32 v11, v6  }
0x1ed: {  	s8 =	simm.s32 $0x15840;
	v15 =	vld [tilespmem:s1+$0x20];
	[tilespmem:v18+s22+$0x0] =	vst.idx.msk $0xffff, v3;
	v3 =	vmul.f32 v20, v7  }
0x1ee: {  	v22 =	vld [tilespmem:s8+$0x30];
	[tilespmem:v19+s22+$0x0] =	vst.idx.msk $0xffff, v4  }
0x1ef: {  	v4 =	vmul.f32 v10, v8;
	[tilespmem:v21+s22+$0x0] =	vst.idx.msk $0xffff, v3;
	v3 =	vld [tilespmem:s11+$0x30]  }
0x1f0: {  	v5 =	vld [tilespmem:s8+$0xFFFFFFC0]  }
0x1f1: {  	[tilespmem:v14+s22+$0x0] =	vst.idx.msk $0xffff, v4;
	v4 =	vld [tilespmem:s11+$0xFFFFFFD0]  }
0x1f2: {  	v6 =	vld [tilespmem:s8+$0xFFFFFFD0]  }
0x1f3: {  	v9 =	vmul.f32 v15, v9;
	v15 =	vld [tilespmem:s28+$0xFFFFFFD0]  }
0x1f4: {  	v20 =	vld.idx.msk [tilespmem:v61+s7+$0x0], $0xffff  }
0x1f5: {  	v7 =	vld [tilespmem:s8+$0xFFFFFFE0]  }
0x1f6: {  	s26 =	simm.s32 $0xFF0;
	v10 =	vld [tilespmem:s11+$0xFFFFFFE0]  }
0x1f7: {  	s12 =	simm.s32 $0x660;
	s17 =	sand.u32 $0x7F0, s26;
	v27 =	vld.idx.msk [tilespmem:v3+s7+$0x0], $0xffff  }
0x1f8: {  	s1 =	sand.u32 $0x7E0, s12;
	v8 =	vld [tilespmem:s8+$0xFFFFFFF0];
	v3 =	vadd.s32 s17, v1  }
0x1f9: {  	v29 =	vld.idx.msk [tilespmem:v4+s7+$0x0], $0xffff;
	v4 =	vadd.s32 s1, v1;
	v31 =	vand.u32 $0x7FF, v3  }
0x1fa: {  	[tilespmem:v12+s25+$0x0] =	vst.idx.msk $0xffff, v22;
	v12 =	vld.idx.msk [tilespmem:v26+s7+$0x0], $0xffff;
	v3 =	vand.u32 $0x7FF, v4  }
0x1fb: {  	v11 =	vld [tilespmem:s8+$0x0]  }
0x1fc: {  	v17 =	vld [tilespmem:s8+$0x10];
	[tilespmem:v13+s25+$0x0] =	vst.idx.msk $0xffff, v5;
	v4 =	vmul.f32 v28, v27  }
0x1fd: {  	s11 =	simm.s32 $0x80;
	v13 =	vld [tilespmem:s28+$0xFFFFFFC0];
	[tilespmem:v16+s25+$0x0] =	vst.idx.msk $0xffff, v6  }
0x1fe: {  	s18 =	simm.s32 $0x990;
	s10 =	simm.s32 $0x158C0;
	v16 =	vld [tilespmem:s28+$0xFFFFFFE0];
	[tilespmem:v31+s22+$0x0] =	vst.idx.msk $0xffff, v4;
	v4 =	vadd.s32 s11, v1  }
0x1ff: {  	s19 =	simm.s32 $0xAA0;
	s1 =	sand.u32 $0x790, s18;
	[tilespmem:v3+s22+$0x0] =	vst.idx.msk $0xffff, v9;
	v9 =	vld [tilespmem:s10+$0x30];
	v4 =	vand.u32 $0x780, v4  }
0x200: {  	s20 =	simm.s32 $0xBB0;
	s2 =	sand.u32 $0x7A0, s19;
	[tilespmem:v18+s25+$0x0] =	vst.idx.msk $0xffff, v7;
	v30 =	vld.idx.msk [tilespmem:v10+s7+$0x0], $0xffff;
	v5 =	vadd.s32 s1, v1;
	v10 =	vor.u32 v2, v4  }
0x201: {  	s5 =	simm.s32 $0xCC0;
	v6 =	vadd.s32 s2, v1;
	v18 =	vld [tilespmem:s28+$0xFFFFFFF0];
	[tilespmem:v19+s25+$0x0] =	vst.idx.msk $0xffff, v8;
	s17 =	sand.u32 $0x7B0, s20;
	v4 =	vand.u32 $0x7FF, v5  }
0x202: {  	v19 =	vld [tilespmem:s28+$0x0];
	[tilespmem:v21+s25+$0x0] =	vst.idx.msk $0xffff, v11;
	s18 =	simm.s32 $0xDD0;
	v7 =	vadd.s32 s17, v1;
	s1 =	sand.u32 $0x7C0, s5;
	v5 =	vand.u32 $0x7FF, v6  }
0x203: {  	s19 =	simm.s32 $0xEE0;
	[tilespmem:v14+s25+$0x0] =	vst.idx.msk $0xffff, v17;
	v11 =	vmul.f32 v13, v12;
	v17 =	vld [tilespmem:s28+$0x10];
	s12 =	sand.u32 $0x7D0, s18;
	v8 =	vadd.s32 s1, v1;
	v6 =	vand.u32 $0x7FF, v7  }
0x204: {  	v62 =	vld.idx.msk [tilespmem:v25+s7+$0x0], $0xffff;
	s20 =	sand.u32 $0x7E0, s19;
	v12 =	vadd.s32 s12, v1;
	v13 =	vmul.f32 v15, v29;
	v7 =	vand.u32 $0x7FF, v8;
	[tilespmem:v31+s25+$0x0] =	vst.idx.msk $0xffff, v9  }
0x205: {  	v14 =	vmul.f32 v16, v30;
	v8 =	vand.u32 $0x7FF, v12;
	v9 =	vadd.s32 s20, v1;
	[tilespmem:v10+s22+$0x0] =	vst.idx.msk $0xffff, v11;
	v11 =	vld [tilespmem:s8+$0x20]  }
0x206: {  	v15 =	vmul.f32 v18, v20;
	v9 =	vand.u32 $0x7FF, v9;
	[tilespmem:v4+s22+$0x0] =	vst.idx.msk $0xffff, v13;
	v12 =	vld [tilespmem:s10+$0xFFFFFFC0]  }
0x207: {  	v16 =	vmul.f32 v19, v23;
	[tilespmem:v5+s22+$0x0] =	vst.idx.msk $0xffff, v14;
	v13 =	vld [tilespmem:s10+$0xFFFFFFD0]  }
0x208: {  	v17 =	vmul.f32 v17, v24;
	[tilespmem:v6+s22+$0x0] =	vst.idx.msk $0xffff, v15;
	v14 =	vld [tilespmem:s10+$0xFFFFFFE0]  }
0x209: {  	v18 =	vmul.f32 v63, v62;
	[tilespmem:v7+s22+$0x0] =	vst.idx.msk $0xffff, v16;
	v15 =	vld [tilespmem:s10+$0xFFFFFFF0]  }
0x20a: {  	[tilespmem:v8+s22+$0x0] =	vst.idx.msk $0xffff, v17;
	v16 =	vld [tilespmem:s10+$0x0]  }
0x20b: {  	s12 =	simm.s32 $0x158C0;
	s8 =	simm.s32 $0x13940;
	v17 =	vld [tilespmem:s10+$0x10];
	[tilespmem:v9+s22+$0x0] =	vst.idx.msk $0xffff, v18  }
.LBB2_11:
0x20c: {  	v18 =	vld [tilespmem:s8+$0x30];
	[tilespmem:v10+s25+$0x0] =	vst.idx.msk $0xffff, v12  }
0x20d: {  	v10 =	vld [tilespmem:s8+$0xFFFFFFD0];
	[tilespmem:v4+s25+$0x0] =	vst.idx.msk $0xffff, v13  }
0x20e: {  	v4 =	vld [tilespmem:s8+$0xFFFFFFE0];
	[tilespmem:v5+s25+$0x0] =	vst.idx.msk $0xffff, v14  }
0x20f: {  	v5 =	vld [tilespmem:s8+$0xFFFFFFF0];
	[tilespmem:v6+s25+$0x0] =	vst.idx.msk $0xffff, v15  }
0x210: {  	v6 =	vld [tilespmem:s8+$0x0];
	[tilespmem:v7+s25+$0x0] =	vst.idx.msk $0xffff, v16  }
0x211: {  	v7 =	vld [tilespmem:s8+$0x10];
	[tilespmem:v8+s25+$0x0] =	vst.idx.msk $0xffff, v17  }
0x212: {  	v12 =	vld [tilespmem:s8+$0x20];
	[tilespmem:v3+s25+$0x0] =	vst.idx.msk $0xffff, v11;
	v3 =	vmov v9  }
0x213: {  	v8 =	vld [tilespmem:s8+$0xFFFFFFC0]  }
0x214: {  	s26 =	sadd.s32 $0x880, s26;
	s28 =	sadd.s32 $0x80, s28;
	v9 =	vld.idx.msk [tilespmem:v18+s7+$0x0], $0xffff  }
0x215: {  	s1 =	sadd.s32 $0xFFFFF9A0, s26;
	s2 =	sadd.s32 $0xFFFFFAB0, s26;
	s17 =	sand.u32 $0x7F0, s26;
	v11 =	vld [tilespmem:s28+$0x30]  }
0x216: {  	s18 =	sadd.s32 $0xFFFFFBC0, s26;
	s19 =	sadd.s32 $0xFFFFFCD0, s26;
	s20 =	sadd.s32 $0xFFFFFDE0, s26;
	v13 =	vld.idx.msk [tilespmem:v10+s7+$0x0], $0xffff;
	v10 =	vadd.s32 s17, v1  }
0x217: {  	s1 =	sand.u32 $0x790, s1;
	s2 =	sand.u32 $0x7A0, s2;
	s17 =	sadd.s32 $0xFFFFFEF0, s26;
	v14 =	vld.idx.msk [tilespmem:v4+s7+$0x0], $0xffff;
	v15 =	vand.u32 $0x7FF, v10  }
0x218: {  	v4 =	vadd.s32 s1, v1;
	v10 =	vadd.s32 s2, v1;
	s1 =	sand.u32 $0x7B0, s18;
	s2 =	sand.u32 $0x7C0, s19;
	s18 =	sand.u32 $0x7D0, s20;
	v16 =	vld.idx.msk [tilespmem:v5+s7+$0x0], $0xffff  }
0x219: {  	v17 =	vadd.s32 s1, v1;
	v19 =	vadd.s32 s2, v1;
	v20 =	vadd.s32 s18, v1;
	s1 =	sand.u32 $0x7E0, s17;
	v18 =	vld.idx.msk [tilespmem:v6+s7+$0x0], $0xffff  }
0x21a: {  	v4 =	vand.u32 $0x7FF, v4;
	v22 =	vadd.s32 s1, v1;
	v21 =	vld.idx.msk [tilespmem:v7+s7+$0x0], $0xffff;
	v11 =	vmul.f32 v11, v9  }
0x21b: {  	v5 =	vand.u32 $0x7FF, v10;
	v6 =	vand.u32 $0x7FF, v17;
	v7 =	vand.u32 $0x7FF, v19;
	v23 =	vld.idx.msk [tilespmem:v8+s7+$0x0], $0xffff  }
0x21c: {  	s10 =	sadd.s32 $0x80, s10;
	v9 =	vand.u32 $0x7FF, v22;
	v8 =	vand.u32 $0x7FF, v20;
	v17 =	vld.idx.msk [tilespmem:v12+s7+$0x0], $0xffff;
	[tilespmem:v15+s22+$0x0] =	vst.idx.msk $0xffff, v11  }
0x21d: {  	s11 =	sadd.s32 $0x80, s11;
	v11 =	vld [tilespmem:s10+$0x30]  }
0x21e: {  	p1 =	slt.u32 s11, $0x780;
	v10 =	vadd.s32 s11, v1;
	v12 =	vld [tilespmem:s28+$0xFFFFFFC0]  }
0x21f: {  	v10 =	vand.u32 $0x780, v10;
	v19 =	vld [tilespmem:s28+$0xFFFFFFD0]  }
0x220: {  	v10 =	vor.u32 v2, v10;
	v20 =	vld [tilespmem:s28+$0xFFFFFFE0]  }
0x221: {  	v22 =	vld [tilespmem:s28+$0xFFFFFFF0]  }
0x222: {  	v24 =	vld [tilespmem:s28+$0x0];
	[tilespmem:v15+s25+$0x0] =	vst.idx.msk $0xffff, v11  }
0x223: {  	v11 =	vmul.f32 v12, v23;
	v15 =	vld [tilespmem:s28+$0x10]  }
0x224: {  	v13 =	vmul.f32 v19, v13;
	v19 =	vld [tilespmem:s28+$0x20]  }
0x225: {  	[tilespmem:v10+s22+$0x0] =	vst.idx.msk $0xffff, v11;
	v14 =	vmul.f32 v20, v14;
	v11 =	vld [tilespmem:s12+$0x20];
	s12 =	smov.u32 s10  }
0x226: {  	v12 =	vld [tilespmem:s10+$0xFFFFFFC0];
	[tilespmem:v4+s22+$0x0] =	vst.idx.msk $0xffff, v13;
	v16 =	vmul.f32 v22, v16  }
.Ltmp4:
0x227: {  	v13 =	vld [tilespmem:s10+$0xFFFFFFD0];
	[tilespmem:v5+s22+$0x0] =	vst.idx.msk $0xffff, v14;
	v18 =	vmul.f32 v24, v18;
	(pc) =	sbr.rel @p1 .LBB2_11-.Ltmp4, $4  }
0x228: {  	v14 =	vld [tilespmem:s10+$0xFFFFFFE0];
	[tilespmem:v6+s22+$0x0] =	vst.idx.msk $0xffff, v16;
	v20 =	vmul.f32 v15, v21  }
0x229: {  	v15 =	vld [tilespmem:s10+$0xFFFFFFF0];
	[tilespmem:v7+s22+$0x0] =	vst.idx.msk $0xffff, v18;
	v18 =	vmul.f32 v19, v17  }
0x22a: {  	v16 =	vld [tilespmem:s10+$0x0];
	[tilespmem:v8+s22+$0x0] =	vst.idx.msk $0xffff, v20  }
0x22b: {  	s8 =	sadd.s32 $0x80, s8;
	v17 =	vld [tilespmem:s10+$0x10];
	[tilespmem:v9+s22+$0x0] =	vst.idx.msk $0xffff, v18  }
0x22c: {  	_ =	sdelay $0x3  }
0x22d: {  	[tilespmem:v10+s25+$0x0] =	vst.idx.msk $0xffff, v12  }
0x22e: {  	[tilespmem:v4+s25+$0x0] =	vst.idx.msk $0xffff, v13  }
0x22f: {  	v63 =	vld [tilespmem:s12+$0x20];
	[tilespmem:v3+s25+$0x0] =	vst.idx.msk $0xffff, v11  }
0x230: {  	[tilespmem:v5+s25+$0x0] =	vst.idx.msk $0xffff, v14  }
0x231: {  	[tilespmem:v6+s25+$0x0] =	vst.idx.msk $0xffff, v15  }
0x232: {  	[tilespmem:v7+s25+$0x0] =	vst.idx.msk $0xffff, v16  }
0x233: {  	[tilespmem:v8+s25+$0x0] =	vst.idx.msk $0xffff, v17  }
0x234: {  	s1 =	rddreg [dreg:$0x6];
	s2 =	simm.s32 $0x6;
	[tilespmem:v9+s25+$0x0] =	vst.idx.msk $0xffff, v63  }
0x235: {  	[spmem:s1] =	stream.indirect.scatter.add.f32 [tilespmem:s22], [sflag:$0x8], $0x1, s25, s24, $0xb8;
	[tilespmem:$0x1C000] =	vst v63  }
0x236: {  	_ =	swait.ge [sflag:s2], $0x800  }
0x237: {  	s1 =	rddreg [dreg:$0x14]  }
0x238: {  	s1 =	sadd.s32 @!p0 s31, s1  }
0x239: {  	s8 =	simm.s32 @!p0 $0x0;
	[sflag:s2] =	ssyncset.done $0x0;
	s1 =	sshrl.u32 @!p0 s1, $0x3  }
0x23a: {  	s10 =	simm.s32 @!p0 $0x10800;
	[sflag:s2] =	ssyncadd.s32 $0xFFFFF800;
	s2 =	sadd.s32 @!p0 s29, s1  }
0x23b: {  	[tilespmem:s10], [sflag:$0x2] =	stream.linear.gather @!p0 [hbm4b:s2+s8], $0x800, $0x38;
	[tilespmem:$0x1C000] =	vst v63  }
0x23c: {  	s2 =	rddreg [dreg:$0x3]  }
0x23d: {  	s10 =	simm.s32 @!p0 $0x12800;
	s2 =	sadd.s32 @!p0 s2, s1  }
0x23e: {  	[tilespmem:s10], [sflag:$0x2] =	stream.linear.gather @!p0 [hbm4b:s2+s8], $0x800, $0x38;
	[tilespmem:$0x1C000] =	vst v63  }
0x23f: {  	s16 =	sadd.s32 $0x1, s16;
	s1 =	sadd.s32 @!p0 s3, s1;
	s2 =	simm.s32 @!p0 $0x14800  }
0x240: {  	[tilespmem:s2], [sflag:$0x2] =	stream.linear.gather @!p0 [hbm4b:s1+s8], $0x800, $0x38;
	[tilespmem:$0x1C000] =	vst v63  }
0x241: {  	p0 =	sne.s32 s16, $0x10  }
.Ltmp5:
0x242: {  	_ = 	snop;
	(pc) =	sbr.rel @p0 .LBB2_4-.Ltmp5, $1  }
0x243: {  	_ =	sdelay $0x3  }
0x244: {  	s1 =	simm.s32 $0x7  }
0x245: {  	_ =	swait.ge [sflag:s1], $0x800  }
0x246: {  	[sflag:s1] =	ssyncset.done $0x0  }
0x247: {  	s20 =	simm.s32 $0x8;
	[sflag:s1] =	ssyncadd.s32 $0xFFFFF800  }
0x248: {  	_ =	swait.ge [sflag:s20], $0x800  }
0x249: {  	[sflag:s20] =	ssyncset.done $0x0  }
0x24a: {  	[sflag:s20] =	ssyncadd.s32 $0xFFFFF800  }
0x24b: {  	[bflag:$0x0] =	sbarrier.arrive $0xFFFF  }
0x24c: {  	s2 =	rddreg [dreg:$0x10]  }
0x24d: {  	s10 =	simm.s32 $0x20;
	s5 =	rddreg [dreg:$0x11]  }
0x24e: {  	s11 =	simm.s32 $0x10;
	s8 =	rddreg [dreg:$0x15];
	s26 =	sshrl.u32 s2, $0x3  }
0x24f: {  	[hbm:s8@s10], [sflag:s5] =	dma.strided [spmem:s26@s11], $0x200, s6, $0x10   }
0x250: {  	s11 =	simm.s32 $0x9  }
0x251: {  	_ =	swait.ge [sflag:s11], $0x200  }
0x252: {  	s28 =	rddreg [dreg:$0x18]  }
0x253: {  	s31 =	rddreg [dreg:$0x16];
	s8 =	sadd.s32 $0x1, s28  }
0x254: {  	p0 =	sne.s32 s8, s31  }
.Ltmp6:
0x255: {  	_ = 	snop;
	(pc) =	sbr.rel @p0 .LBB2_1-.Ltmp6, $3  }
0x256: {  	_ =	sdelay $0x1  }
0x257: {  	[sflag:s11] =	ssyncset.done $0x0  }
0x258: {  	[sflag:s11] =	ssyncadd.s32 $0xFFFFFE00  }
0x259: {  	_ =	sfence.sel $0x180000  }
0x25a: {  	[bflag:$0x0] =	sbarrier.arrive $0xFFFF  }
0x25b: {  	_ =	strace $0x90000047  }
0x25c: {  	s0 =	stileid.u32;
	[bflag:$0x2] =	sbarrier.arrive $0xFFFF  }
0x25d: {  	p0 =	sne.s32 s0, $0x0;
	s0 =	rddreg [dreg:$0x7]  }
0x25e: {  	s0 =	sadd.s32 @!p0 $0x100000, s0  }
0x25f: {  	[sflag:s0] =	ssyncadd.tile.s32 @!p0 $0x1;
	_ =	shalt  }
.Lfunc_end2:
_tile_overlayer_lowered:
.L_overlay_start_2:
0x260: {  	(tag) =	ssettag $0x2  }
0x261: {  	s0 =	rddreg [dreg:$0x0];
	s2 =	stileid.u32  }
0x262: {  	s1 =	rddreg [dreg:$0x1];
	p0 =	sne.s32 s2, $0x0  }
0x263: {  	s3 =	rddreg [dreg:$0x2];
	[bflag:$0x3] =	sbarrier.arrive $0xFFFF;
	s2 =	simm.s32 @!p0 $0x1C09  }
0x264: {  	[timem:s3], [sflag:s2] =	dma.local @!p0 [hbm:s0], s1  }
0x265: {  	s0 =	simm.s32 @!p0 $0x9  }
0x266: {  	_ =	swait.ge @!p0 [sflag:s0], s1  }
0x267: {  	s1 =	ssub.s32 @!p0 $0x0, s1;
	[sflag:s0] =	ssyncset.done @!p0 $0x0  }
0x268: {  	[sflag:s0] =	ssyncadd.s32 @!p0 s1  }
0x269: {  	[bflag:$0x3] =	sbarrier.arrive $0xFFFF  }
0x26a: {  	_ =	shalt  }

</sc_bundles>
